<compile_context>
chip_gen: v7x
topology: tpu7x:2x2x1
jax: 0.10.2.dev20260603
libtpu: 0.0.44.dev20260713+nightly
codegen_flags: <defaults>
</compile_context>

<pallas_src>
import functools

import jax
import jax.numpy as jnp
from jax import lax
from jax.experimental import pallas as pl
from jax.experimental.pallas import tpu as pltpu
from jax.experimental.pallas import tpu_sc as plsc

N = 10000
E = 320000
NT = 16
H = 128

NC = 2
NS = 16
NW = NC * NS
EPW = E // NW
B = 80
CH = EPW // B
RPW0 = 640
RPW1 = 624

BN = 1000
GRID = N // BN

_mesh = plsc.VectorSubcoreMesh(core_axis_name="c", subcore_axis_name="s")


@functools.partial(
    pl.kernel,
    mesh=_mesh,
    out_type=jax.ShapeDtypeStruct((NC, N, H), jnp.float32),
    scratch_types=[
        pltpu.VMEM((CH, B), jnp.int32),
        pltpu.VMEM((CH, B), jnp.int32),
        pltpu.VMEM((B, H), jnp.float32),
        pltpu.VMEM_SHARED((N, H), jnp.float32),
        pltpu.SemaphoreType.DMA,
    ],
)
def _sc_agg(col_hbm, row_hbm, table_hbm, zeros_hbm, out_hbm,
            col_v, row_v, rows_v, acc_sh, sem):
    c = lax.axis_index("c")
    s = lax.axis_index("s")
    wid = c * NS + s
    base1 = pl.multiple_of(16 + s * RPW1, 8)

    @pl.when(s == 0)
    def _():
        pltpu.sync_copy(zeros_hbm, acc_sh.at[pl.ds(0, RPW0)])

    @pl.when(s != 0)
    def _():
        pltpu.sync_copy(zeros_hbm.at[pl.ds(0, RPW1)],
                        acc_sh.at[pl.ds(base1, RPW1)])

    plsc.subcore_barrier()
    pltpu.sync_copy(col_hbm.at[wid], col_v)
    pltpu.sync_copy(row_hbm.at[wid], row_v)

    def body(j, carry):
        pltpu.async_copy(table_hbm.at[col_v.at[j]], rows_v, sem).wait()
        pltpu.sync_copy(rows_v, acc_sh.at[row_v.at[j]], add=True)
        return carry

    lax.fori_loop(0, CH, body, 0)
    plsc.subcore_barrier()

    @pl.when(s == 0)
    def _():
        pltpu.sync_copy(acc_sh.at[pl.ds(0, RPW0)],
                        out_hbm.at[c, pl.ds(0, RPW0)])

    @pl.when(s != 0)
    def _():
        pltpu.sync_copy(acc_sh.at[pl.ds(base1, RPW1)],
                        out_hbm.at[c, pl.ds(base1, RPW1)])


def _embed_body(ids_ref, nemb_ref, temb_ref, o_ref):
    ids = ids_ref[0, 0, :]
    onehot = (ids[:, None]
              == lax.broadcasted_iota(jnp.int32, (1, NT), 1)).astype(jnp.float32)
    o_ref[...] = nemb_ref[...] + jnp.dot(
        onehot, temb_ref[...], preferred_element_type=jnp.float32)


def _mlp_body(parts_ref, w1_ref, b1_ref, w2_ref, o_ref):
    p = parts_ref[0] + parts_ref[1]
    h = jnp.maximum(
        jnp.dot(p, w1_ref[...], preferred_element_type=jnp.float32)
        + b1_ref[...], 0.0)
    o_ref[...] = jnp.dot(h, w2_ref[...], preferred_element_type=jnp.float32)


def _final_body(parts_ref, b2_ref, o_ref):
    o_ref[...] = parts_ref[0] + parts_ref[1] + b2_ref[...]


_embed = pl.pallas_call(
    _embed_body,
    grid=(GRID,),
    in_specs=[
        pl.BlockSpec((1, 1, BN), lambda i: (i, 0, 0)),
        pl.BlockSpec((BN, H), lambda i: (i, 0)),
        pl.BlockSpec((NT, H), lambda i: (0, 0)),
    ],
    out_specs=pl.BlockSpec((BN, H), lambda i: (i, 0)),
    out_shape=jax.ShapeDtypeStruct((N, H), jnp.float32),
)

_mlp = pl.pallas_call(
    _mlp_body,
    grid=(GRID,),
    in_specs=[
        pl.BlockSpec((NC, BN, H), lambda i: (0, i, 0)),
        pl.BlockSpec((H, H), lambda i: (0, 0)),
        pl.BlockSpec((1, H), lambda i: (0, 0)),
        pl.BlockSpec((H, H), lambda i: (0, 0)),
    ],
    out_specs=pl.BlockSpec((BN, H), lambda i: (i, 0)),
    out_shape=jax.ShapeDtypeStruct((N, H), jnp.float32),
)

_final = pl.pallas_call(
    _final_body,
    grid=(GRID,),
    in_specs=[
        pl.BlockSpec((NC, BN, H), lambda i: (0, i, 0)),
        pl.BlockSpec((1, H), lambda i: (0, 0)),
    ],
    out_specs=pl.BlockSpec((BN, H), lambda i: (i, 0)),
    out_shape=jax.ShapeDtypeStruct((N, H), jnp.float32),
)


def kernel(node_type_ids, edge_index, node_emb, type_emb, W1, b1, W2, b2):
    col = edge_index[1].reshape(NW, CH, B)
    row = edge_index[0].reshape(NW, CH, B)
    zeros = jnp.zeros((RPW0, H), jnp.float32)
    ids3 = node_type_ids.reshape(GRID, 1, BN).astype(jnp.int32)

    x = _embed(ids3, node_emb, type_emb)
    p1 = _sc_agg(col, row, x, zeros)
    y = _mlp(p1, W1, b1.reshape(1, H), W2)
    p2 = _sc_agg(col, row, y, zeros)
    return _final(p2, b2.reshape(1, H))

# --- scband reference (transcript-rebuilt; emitter-appended) ---
"""Pipeline reference for scband-prime-kgdrug-repurposing-gnn-12120397709962 (READ-ONLY COPY).

The authoritative reference and input builder live on the scoring server;
editing this copy changes nothing except your own understanding.
"""

import jax, jax.numpy as jnp
import numpy as np

N = 10000
E = 320000
NT = 16
H = 128
D = 128


def setup_inputs(seed: int = 0) -> dict:
    key = jax.random.key(seed)
    ks = jax.random.split(key, 9)
    node_type_ids = jax.random.randint(ks[0], (N,), 0, NT)
    edge_index = jax.random.randint(ks[1], (2, E), 0, N)
    node_emb = jax.random.normal(ks[2], (N, H), dtype=jnp.float32) * 0.02
    type_emb = jax.random.normal(ks[3], (NT, H), dtype=jnp.float32) * 0.02
    W1 = jax.random.normal(ks[4], (H, H), dtype=jnp.float32) * (1.0 / np.sqrt(H))
    b1 = jnp.zeros((H,), dtype=jnp.float32)
    W2 = jax.random.normal(ks[5], (H, D), dtype=jnp.float32) * (1.0 / np.sqrt(H))
    b2 = jnp.zeros((D,), dtype=jnp.float32)
    return {
        'node_type_ids': node_type_ids,
        'edge_index': edge_index,
        'node_emb': node_emb,
        'type_emb': type_emb,
        'W1': W1,
        'b1': b1,
        'W2': W2,
        'b2': b2,
    }


def reference(node_type_ids, edge_index, node_emb, type_emb, W1, b1, W2, b2):
    # encode(node_type_ids, adj):
    #   x = node_embedding(arange(N)) + type_embedding(node_type_ids)
    idx = jnp.arange(N)
    x = jnp.take(node_emb, idx, axis=0) + jnp.take(type_emb, node_type_ids, axis=0)
    row = edge_index[0]
    col = edge_index[1]
    # gcn1: sparse.mm(adj, x) with adj values = 1.0 (COO: adj[row, col] = 1)
    h = jax.ops.segment_sum(jnp.take(x, col, axis=0), row, num_segments=N)
    h = h @ W1 + b1
    h = jax.nn.relu(h)
    # dropout p=0.0 -> identity
    # gcn2
    h2 = jax.ops.segment_sum(jnp.take(h, col, axis=0), row, num_segments=N)
    z = h2 @ W2 + b2
    return z

if __name__ == "__main__":
    import jax
    _d = setup_inputs()
    print(jax.jit(kernel)(*tuple(_d.values())))

</pallas_src>

<mosaic_0001>
#map = affine_map<(d0, d1) -> (0, 0, 0)>
#map1 = affine_map<(d0, d1) -> (0, 0)>
module attributes {stable_mosaic.version = 14 : i64} {
  func.func @_sc_agg(%arg0: i32, %arg1: i32, %arg2: memref<32x125x80xi32, #tpu.memory_space<hbm>>, %arg3: memref<32x125x80xi32, #tpu.memory_space<hbm>>, %arg4: memref<10000x128xf32, #tpu.memory_space<hbm>>, %arg5: memref<640x128xf32, #tpu.memory_space<hbm>>, %arg6: memref<2x10000x128xf32, #tpu.memory_space<hbm>>, %arg7: memref<125x80xi32, #tpu.memory_space<vmem>>, %arg8: memref<125x80xi32, #tpu.memory_space<vmem>>, %arg9: memref<80x128xf32, #tpu.memory_space<vmem>>, %arg10: memref<10000x128xf32, #tpu.memory_space<vmem_shared>>, %arg11: memref<!tpu.dma_semaphore, #tpu.memory_space<semaphore_mem>>) attributes {dimension_semantics = [#tpu.dimension_semantics<core_parallel>, #tpu.dimension_semantics<subcore_parallel>], iteration_bounds = array<i64: 2, 16>, scalar_prefetch = 0 : i64, scratch_operands = 5 : i64, tpu.core_type = #tpu.core_type<sc_vector_subcore>, window_params = [{transform_indices = #map}, {transform_indices = #map}, {transform_indices = #map1}, {transform_indices = #map1}, {transform_indices = #map}]} {
    %mul3A = arith.constant 16 : i32
    %mul3A_0 = arith.muli %arg0, %mul3A : i32
    %add3A = arith.addi %mul3A_0, %arg1 : i32
    %mul3A_1 = arith.constant 624 : i32
    %mul3A_2 = arith.muli %arg1, %mul3A_1 : i32
    %add3A_3 = arith.constant 16 : i32
    %add3A_4 = arith.addi %add3A_3, %mul3A_2 : i32
    %multiple_of3A = tpu.assume_multiple %add3A_4, 8 : i32
    %eq3A = arith.constant 0 : i32
    %eq3A_5 = arith.cmpi eq, %arg1, %eq3A : i32
    %convert_element_type3A = arith.extui %eq3A_5 : i1 to i32
    %cond3A = arith.constant 0 : i32
    %cond3A_6 = arith.cmpi ne, %convert_element_type3A, %cond3A : i32
    scf.if %cond3A_6 {
      "tpu.region"() ({
        %run_scoped3A = tpu.sem_alloc : memref<!tpu.dma_semaphore, #tpu.memory_space<semaphore_mem>>
        %dma_start3A = arith.constant 0 : i32
        %dma_start3A_27 = arith.constant 0 : i32
        %dma_start3A_28 = tpu.memref_slice %arg10[%dma_start3A, %dma_start3A_27] : memref<10000x128xf32, #tpu.memory_space<vmem_shared>> -> memref<640x128xf32, #tpu.memory_space<vmem_shared>>
        tpu.enqueue_dma source(%arg5 : memref<640x128xf32, #tpu.memory_space<hbm>>) target(%dma_start3A_28 : memref<640x128xf32, #tpu.memory_space<vmem_shared>>) target_semaphore(%run_scoped3A : memref<!tpu.dma_semaphore, #tpu.memory_space<semaphore_mem>>)
        %dma_wait3A = arith.constant 0 : i32
        %dma_wait3A_29 = arith.constant 0 : i32
        %dma_wait3A_30 = tpu.memref_slice %arg10[%dma_wait3A, %dma_wait3A_29] : memref<10000x128xf32, #tpu.memory_space<vmem_shared>> -> memref<640x128xf32, #tpu.memory_space<vmem_shared>>
        tpu.wait_dma2 semaphore(%run_scoped3A : memref<!tpu.dma_semaphore, #tpu.memory_space<semaphore_mem>>) src(%arg5 : memref<640x128xf32, #tpu.memory_space<hbm>>) dst(%dma_wait3A_30 : memref<640x128xf32, #tpu.memory_space<vmem_shared>>)
        tpu.yield
      }) : () -> ()
    } else {
    }
    %ne3A = arith.constant 0 : i32
    %ne3A_7 = arith.cmpi ne, %arg1, %ne3A : i32
    %convert_element_type3A_8 = arith.extui %ne3A_7 : i1 to i32
    %cond3A_9 = arith.constant 0 : i32
    %cond3A_10 = arith.cmpi ne, %convert_element_type3A_8, %cond3A_9 : i32
    scf.if %cond3A_10 {
      "tpu.region"() ({
        %run_scoped3A = tpu.sem_alloc : memref<!tpu.dma_semaphore, #tpu.memory_space<semaphore_mem>>
        %dma_start3A = arith.constant 0 : i32
        %dma_start3A_27 = tpu.memref_slice %arg10[%multiple_of3A, %dma_start3A] : memref<10000x128xf32, #tpu.memory_space<vmem_shared>> -> memref<624x128xf32, #tpu.memory_space<vmem_shared>>
        %dma_start3A_28 = arith.constant 0 : i32
        %dma_start3A_29 = arith.constant 0 : i32
        %dma_start3A_30 = tpu.memref_slice %arg5[%dma_start3A_28, %dma_start3A_29] : memref<640x128xf32, #tpu.memory_space<hbm>> -> memref<624x128xf32, #tpu.memory_space<hbm>>
        tpu.enqueue_dma source(%dma_start3A_30 : memref<624x128xf32, #tpu.memory_space<hbm>>) target(%dma_start3A_27 : memref<624x128xf32, #tpu.memory_space<vmem_shared>>) target_semaphore(%run_scoped3A : memref<!tpu.dma_semaphore, #tpu.memory_space<semaphore_mem>>)
        %dma_wait3A = arith.constant 0 : i32
        %dma_wait3A_31 = tpu.memref_slice %arg10[%multiple_of3A, %dma_wait3A] : memref<10000x128xf32, #tpu.memory_space<vmem_shared>> -> memref<624x128xf32, #tpu.memory_space<vmem_shared>>
        %dma_wait3A_32 = arith.constant 0 : i32
        %dma_wait3A_33 = arith.constant 0 : i32
        %dma_wait3A_34 = tpu.memref_slice %arg5[%dma_wait3A_32, %dma_wait3A_33] : memref<640x128xf32, #tpu.memory_space<hbm>> -> memref<624x128xf32, #tpu.memory_space<hbm>>
        tpu.wait_dma2 semaphore(%run_scoped3A : memref<!tpu.dma_semaphore, #tpu.memory_space<semaphore_mem>>) src(%dma_wait3A_34 : memref<624x128xf32, #tpu.memory_space<hbm>>) dst(%dma_wait3A_31 : memref<624x128xf32, #tpu.memory_space<vmem_shared>>)
        tpu.yield
      }) : () -> ()
    } else {
    }
    %barrier3A = arith.constant 0 : index
    tpu.barrier barrier_id(%barrier3A)
    "tpu.region"() ({
      %run_scoped3A = tpu.sem_alloc : memref<!tpu.dma_semaphore, #tpu.memory_space<semaphore_mem>>
      %dma_start3A = arith.constant 0 : i32
      %dma_start3A_27 = arith.constant 0 : i32
      %dma_start3A_28 = tpu.memref_slice %arg2[%add3A, %dma_start3A, %dma_start3A_27] : memref<32x125x80xi32, #tpu.memory_space<hbm>> -> memref<1x125x80xi32, #tpu.memory_space<hbm>>
      %dma_start3A_29 = tpu.memref_squeeze %dma_start3A_28 : memref<1x125x80xi32, #tpu.memory_space<hbm>> -> memref<125x80xi32, #tpu.memory_space<hbm>>
      %dma_start3A_30 = arith.constant 0 : i32
      %dma_start3A_31 = arith.constant 0 : i32
      %dma_start3A_32 = tpu.memref_slice %arg2[%add3A, %dma_start3A_30, %dma_start3A_31] : memref<32x125x80xi32, #tpu.memory_space<hbm>> -> memref<1x125x80xi32, #tpu.memory_space<hbm>>
      %dma_start3A_33 = tpu.memref_squeeze %dma_start3A_32 : memref<1x125x80xi32, #tpu.memory_space<hbm>> -> memref<125x80xi32, #tpu.memory_space<hbm>>
      tpu.enqueue_dma source(%dma_start3A_33 : memref<125x80xi32, #tpu.memory_space<hbm>>) target(%arg7 : memref<125x80xi32, #tpu.memory_space<vmem>>) target_semaphore(%run_scoped3A : memref<!tpu.dma_semaphore, #tpu.memory_space<semaphore_mem>>)
      %dma_wait3A = arith.constant 0 : i32
      %dma_wait3A_34 = arith.constant 0 : i32
      %dma_wait3A_35 = tpu.memref_slice %arg2[%add3A, %dma_wait3A, %dma_wait3A_34] : memref<32x125x80xi32, #tpu.memory_space<hbm>> -> memref<1x125x80xi32, #tpu.memory_space<hbm>>
      %dma_wait3A_36 = tpu.memref_squeeze %dma_wait3A_35 : memref<1x125x80xi32, #tpu.memory_space<hbm>> -> memref<125x80xi32, #tpu.memory_space<hbm>>
      %dma_wait3A_37 = arith.constant 0 : i32
      %dma_wait3A_38 = arith.constant 0 : i32
      %dma_wait3A_39 = tpu.memref_slice %arg2[%add3A, %dma_wait3A_37, %dma_wait3A_38] : memref<32x125x80xi32, #tpu.memory_space<hbm>> -> memref<1x125x80xi32, #tpu.memory_space<hbm>>
      %dma_wait3A_40 = tpu.memref_squeeze %dma_wait3A_39 : memref<1x125x80xi32, #tpu.memory_space<hbm>> -> memref<125x80xi32, #tpu.memory_space<hbm>>
      tpu.wait_dma2 semaphore(%run_scoped3A : memref<!tpu.dma_semaphore, #tpu.memory_space<semaphore_mem>>) src(%dma_wait3A_40 : memref<125x80xi32, #tpu.memory_space<hbm>>) dst(%arg7 : memref<125x80xi32, #tpu.memory_space<vmem>>)
      tpu.yield
    }) : () -> ()
    "tpu.region"() ({
      %run_scoped3A = tpu.sem_alloc : memref<!tpu.dma_semaphore, #tpu.memory_space<semaphore_mem>>
      %dma_start3A = arith.constant 0 : i32
      %dma_start3A_27 = arith.constant 0 : i32
      %dma_start3A_28 = tpu.memref_slice %arg3[%add3A, %dma_start3A, %dma_start3A_27] : memref<32x125x80xi32, #tpu.memory_space<hbm>> -> memref<1x125x80xi32, #tpu.memory_space<hbm>>
      %dma_start3A_29 = tpu.memref_squeeze %dma_start3A_28 : memref<1x125x80xi32, #tpu.memory_space<hbm>> -> memref<125x80xi32, #tpu.memory_space<hbm>>
      %dma_start3A_30 = arith.constant 0 : i32
      %dma_start3A_31 = arith.constant 0 : i32
      %dma_start3A_32 = tpu.memref_slice %arg3[%add3A, %dma_start3A_30, %dma_start3A_31] : memref<32x125x80xi32, #tpu.memory_space<hbm>> -> memref<1x125x80xi32, #tpu.memory_space<hbm>>
      %dma_start3A_33 = tpu.memref_squeeze %dma_start3A_32 : memref<1x125x80xi32, #tpu.memory_space<hbm>> -> memref<125x80xi32, #tpu.memory_space<hbm>>
      tpu.enqueue_dma source(%dma_start3A_33 : memref<125x80xi32, #tpu.memory_space<hbm>>) target(%arg8 : memref<125x80xi32, #tpu.memory_space<vmem>>) target_semaphore(%run_scoped3A : memref<!tpu.dma_semaphore, #tpu.memory_space<semaphore_mem>>)
      %dma_wait3A = arith.constant 0 : i32
      %dma_wait3A_34 = arith.constant 0 : i32
      %dma_wait3A_35 = tpu.memref_slice %arg3[%add3A, %dma_wait3A, %dma_wait3A_34] : memref<32x125x80xi32, #tpu.memory_space<hbm>> -> memref<1x125x80xi32, #tpu.memory_space<hbm>>
      %dma_wait3A_36 = tpu.memref_squeeze %dma_wait3A_35 : memref<1x125x80xi32, #tpu.memory_space<hbm>> -> memref<125x80xi32, #tpu.memory_space<hbm>>
      %dma_wait3A_37 = arith.constant 0 : i32
      %dma_wait3A_38 = arith.constant 0 : i32
      %dma_wait3A_39 = tpu.memref_slice %arg3[%add3A, %dma_wait3A_37, %dma_wait3A_38] : memref<32x125x80xi32, #tpu.memory_space<hbm>> -> memref<1x125x80xi32, #tpu.memory_space<hbm>>
      %dma_wait3A_40 = tpu.memref_squeeze %dma_wait3A_39 : memref<1x125x80xi32, #tpu.memory_space<hbm>> -> memref<125x80xi32, #tpu.memory_space<hbm>>
      tpu.wait_dma2 semaphore(%run_scoped3A : memref<!tpu.dma_semaphore, #tpu.memory_space<semaphore_mem>>) src(%dma_wait3A_40 : memref<125x80xi32, #tpu.memory_space<hbm>>) dst(%arg8 : memref<125x80xi32, #tpu.memory_space<vmem>>)
      tpu.yield
    }) : () -> ()
    %scan3A = arith.constant 0 : i32
    %scan3A_11 = arith.constant 0 : i32
    %scan3A_12 = arith.constant 125 : i32
    %scan3A_13 = arith.addi %scan3A_11, %scan3A_12 : i32
    %scan3A_14 = arith.constant 1 : i32
    scf.for %scan3A_27 = %scan3A_11 to %scan3A_13 step %scan3A_14  : i32 {
      %dma_start3A = arith.constant 0 : i32
      %dma_start3A_28 = tpu.memref_slice %arg7[%scan3A_27, %dma_start3A] : memref<125x80xi32, #tpu.memory_space<vmem>> -> memref<1x80xi32, #tpu.memory_space<vmem>>
      %dma_start3A_29 = tpu.memref_squeeze %dma_start3A_28 : memref<1x80xi32, #tpu.memory_space<vmem>> -> memref<80xi32, #tpu.memory_space<vmem>>
      %dma_start3A_30 = arith.constant 0 : i32
      %dma_start3A_31 = arith.constant 0 : i32
      %dma_start3A_32 = tpu.memref_slice %arg4[%dma_start3A_30, %dma_start3A_31] : memref<10000x128xf32, #tpu.memory_space<hbm>> -> memref<10000x128xf32, #tpu.memory_space<hbm>>
      tpu.enqueue_indirect_dma source(%dma_start3A_32 : memref<10000x128xf32, #tpu.memory_space<hbm>>) target(%arg9 : memref<80x128xf32, #tpu.memory_space<vmem>>) offsets(%dma_start3A_29 : memref<80xi32, #tpu.memory_space<vmem>>) semaphore(%arg11 : memref<!tpu.dma_semaphore, #tpu.memory_space<semaphore_mem>>)
      %dma_wait3A = arith.constant 0 : i32
      %dma_wait3A_33 = tpu.memref_slice %arg7[%scan3A_27, %dma_wait3A] : memref<125x80xi32, #tpu.memory_space<vmem>> -> memref<1x80xi32, #tpu.memory_space<vmem>>
      %dma_wait3A_34 = tpu.memref_squeeze %dma_wait3A_33 : memref<1x80xi32, #tpu.memory_space<vmem>> -> memref<80xi32, #tpu.memory_space<vmem>>
      %dma_wait3A_35 = arith.constant 0 : i32
      %dma_wait3A_36 = arith.constant 0 : i32
      %dma_wait3A_37 = tpu.memref_slice %arg4[%dma_wait3A_35, %dma_wait3A_36] : memref<10000x128xf32, #tpu.memory_space<hbm>> -> memref<10000x128xf32, #tpu.memory_space<hbm>>
      tpu.wait_indirect_dma semaphore(%arg11 : memref<!tpu.dma_semaphore, #tpu.memory_space<semaphore_mem>>) src(%dma_wait3A_37 : memref<10000x128xf32, #tpu.memory_space<hbm>>) dst(%arg9 : memref<80x128xf32, #tpu.memory_space<vmem>>)
      "tpu.region"() ({
        %run_scoped3A = tpu.sem_alloc : memref<!tpu.dma_semaphore, #tpu.memory_space<semaphore_mem>>
        %dma_start3A_38 = arith.constant 0 : i32
        %dma_start3A_39 = tpu.memref_slice %arg8[%scan3A_27, %dma_start3A_38] : memref<125x80xi32, #tpu.memory_space<vmem>> -> memref<1x80xi32, #tpu.memory_space<vmem>>
        %dma_start3A_40 = tpu.memref_squeeze %dma_start3A_39 : memref<1x80xi32, #tpu.memory_space<vmem>> -> memref<80xi32, #tpu.memory_space<vmem>>
        %dma_start3A_41 = arith.constant 0 : i32
        %dma_start3A_42 = arith.constant 0 : i32
        %dma_start3A_43 = tpu.memref_slice %arg10[%dma_start3A_41, %dma_start3A_42] : memref<10000x128xf32, #tpu.memory_space<vmem_shared>> -> memref<10000x128xf32, #tpu.memory_space<vmem_shared>>
        tpu.enqueue_indirect_dma source(%arg9 : memref<80x128xf32, #tpu.memory_space<vmem>>) target(%dma_start3A_43 : memref<10000x128xf32, #tpu.memory_space<vmem_shared>>) offsets(%dma_start3A_40 : memref<80xi32, #tpu.memory_space<vmem>>) semaphore(%run_scoped3A : memref<!tpu.dma_semaphore, #tpu.memory_space<semaphore_mem>>) {add = true}
        %dma_wait3A_44 = arith.constant 0 : i32
        %dma_wait3A_45 = tpu.memref_slice %arg8[%scan3A_27, %dma_wait3A_44] : memref<125x80xi32, #tpu.memory_space<vmem>> -> memref<1x80xi32, #tpu.memory_space<vmem>>
        %dma_wait3A_46 = tpu.memref_squeeze %dma_wait3A_45 : memref<1x80xi32, #tpu.memory_space<vmem>> -> memref<80xi32, #tpu.memory_space<vmem>>
        %dma_wait3A_47 = arith.constant 0 : i32
        %dma_wait3A_48 = arith.constant 0 : i32
        %dma_wait3A_49 = tpu.memref_slice %arg10[%dma_wait3A_47, %dma_wait3A_48] : memref<10000x128xf32, #tpu.memory_space<vmem_shared>> -> memref<10000x128xf32, #tpu.memory_space<vmem_shared>>
        tpu.wait_indirect_dma semaphore(%run_scoped3A : memref<!tpu.dma_semaphore, #tpu.memory_space<semaphore_mem>>) src(%arg9 : memref<80x128xf32, #tpu.memory_space<vmem>>) dst(%dma_wait3A_49 : memref<10000x128xf32, #tpu.memory_space<vmem_shared>>)
        tpu.yield
      }) : () -> ()
    }
    %scan3A_15 = arith.constant 125 : i32
    %barrier3A_16 = arith.constant 0 : index
    tpu.barrier barrier_id(%barrier3A_16)
    %eq3A_17 = arith.constant 0 : i32
    %eq3A_18 = arith.cmpi eq, %arg1, %eq3A_17 : i32
    %convert_element_type3A_19 = arith.extui %eq3A_18 : i1 to i32
    %cond3A_20 = arith.constant 0 : i32
    %cond3A_21 = arith.cmpi ne, %convert_element_type3A_19, %cond3A_20 : i32
    scf.if %cond3A_21 {
      "tpu.region"() ({
        %run_scoped3A = tpu.sem_alloc : memref<!tpu.dma_semaphore, #tpu.memory_space<semaphore_mem>>
        %dma_start3A = arith.constant 0 : i32
        %dma_start3A_27 = arith.constant 0 : i32
        %dma_start3A_28 = tpu.memref_slice %arg6[%arg0, %dma_start3A, %dma_start3A_27] : memref<2x10000x128xf32, #tpu.memory_space<hbm>> -> memref<1x640x128xf32, #tpu.memory_space<hbm>>
        %dma_start3A_29 = tpu.memref_squeeze %dma_start3A_28 : memref<1x640x128xf32, #tpu.memory_space<hbm>> -> memref<640x128xf32, #tpu.memory_space<hbm>>
        %dma_start3A_30 = arith.constant 0 : i32
        %dma_start3A_31 = arith.constant 0 : i32
        %dma_start3A_32 = tpu.memref_slice %arg10[%dma_start3A_30, %dma_start3A_31] : memref<10000x128xf32, #tpu.memory_space<vmem_shared>> -> memref<640x128xf32, #tpu.memory_space<vmem_shared>>
        tpu.enqueue_dma source(%dma_start3A_32 : memref<640x128xf32, #tpu.memory_space<vmem_shared>>) target(%dma_start3A_29 : memref<640x128xf32, #tpu.memory_space<hbm>>) target_semaphore(%run_scoped3A : memref<!tpu.dma_semaphore, #tpu.memory_space<semaphore_mem>>)
        %dma_wait3A = arith.constant 0 : i32
        %dma_wait3A_33 = arith.constant 0 : i32
        %dma_wait3A_34 = tpu.memref_slice %arg6[%arg0, %dma_wait3A, %dma_wait3A_33] : memref<2x10000x128xf32, #tpu.memory_space<hbm>> -> memref<1x640x128xf32, #tpu.memory_space<hbm>>
        %dma_wait3A_35 = tpu.memref_squeeze %dma_wait3A_34 : memref<1x640x128xf32, #tpu.memory_space<hbm>> -> memref<640x128xf32, #tpu.memory_space<hbm>>
        %dma_wait3A_36 = arith.constant 0 : i32
        %dma_wait3A_37 = arith.constant 0 : i32
        %dma_wait3A_38 = tpu.memref_slice %arg10[%dma_wait3A_36, %dma_wait3A_37] : memref<10000x128xf32, #tpu.memory_space<vmem_shared>> -> memref<640x128xf32, #tpu.memory_space<vmem_shared>>
        tpu.wait_dma2 semaphore(%run_scoped3A : memref<!tpu.dma_semaphore, #tpu.memory_space<semaphore_mem>>) src(%dma_wait3A_38 : memref<640x128xf32, #tpu.memory_space<vmem_shared>>) dst(%dma_wait3A_35 : memref<640x128xf32, #tpu.memory_space<hbm>>)
        tpu.yield
      }) : () -> ()
    } else {
    }
    %ne3A_22 = arith.constant 0 : i32
    %ne3A_23 = arith.cmpi ne, %arg1, %ne3A_22 : i32
    %convert_element_type3A_24 = arith.extui %ne3A_23 : i1 to i32
    %cond3A_25 = arith.constant 0 : i32
    %cond3A_26 = arith.cmpi ne, %convert_element_type3A_24, %cond3A_25 : i32
    scf.if %cond3A_26 {
      "tpu.region"() ({
        %run_scoped3A = tpu.sem_alloc : memref<!tpu.dma_semaphore, #tpu.memory_space<semaphore_mem>>
        %dma_start3A = arith.constant 0 : i32
        %dma_start3A_27 = tpu.memref_slice %arg6[%arg0, %multiple_of3A, %dma_start3A] : memref<2x10000x128xf32, #tpu.memory_space<hbm>> -> memref<1x624x128xf32, #tpu.memory_space<hbm>>
        %dma_start3A_28 = tpu.memref_squeeze %dma_start3A_27 : memref<1x624x128xf32, #tpu.memory_space<hbm>> -> memref<624x128xf32, #tpu.memory_space<hbm>>
        %dma_start3A_29 = arith.constant 0 : i32
        %dma_start3A_30 = tpu.memref_slice %arg10[%multiple_of3A, %dma_start3A_29] : memref<10000x128xf32, #tpu.memory_space<vmem_shared>> -> memref<624x128xf32, #tpu.memory_space<vmem_shared>>
        tpu.enqueue_dma source(%dma_start3A_30 : memref<624x128xf32, #tpu.memory_space<vmem_shared>>) target(%dma_start3A_28 : memref<624x128xf32, #tpu.memory_space<hbm>>) target_semaphore(%run_scoped3A : memref<!tpu.dma_semaphore, #tpu.memory_space<semaphore_mem>>)
        %dma_wait3A = arith.constant 0 : i32
        %dma_wait3A_31 = tpu.memref_slice %arg6[%arg0, %multiple_of3A, %dma_wait3A] : memref<2x10000x128xf32, #tpu.memory_space<hbm>> -> memref<1x624x128xf32, #tpu.memory_space<hbm>>
        %dma_wait3A_32 = tpu.memref_squeeze %dma_wait3A_31 : memref<1x624x128xf32, #tpu.memory_space<hbm>> -> memref<624x128xf32, #tpu.memory_space<hbm>>
        %dma_wait3A_33 = arith.constant 0 : i32
        %dma_wait3A_34 = tpu.memref_slice %arg10[%multiple_of3A, %dma_wait3A_33] : memref<10000x128xf32, #tpu.memory_space<vmem_shared>> -> memref<624x128xf32, #tpu.memory_space<vmem_shared>>
        tpu.wait_dma2 semaphore(%run_scoped3A : memref<!tpu.dma_semaphore, #tpu.memory_space<semaphore_mem>>) src(%dma_wait3A_34 : memref<624x128xf32, #tpu.memory_space<vmem_shared>>) dst(%dma_wait3A_32 : memref<624x128xf32, #tpu.memory_space<hbm>>)
        tpu.yield
      }) : () -> ()
    } else {
    }
    return
  }
}

#map = affine_map<(d0, d1) -> (0, 0, 0)>
#map1 = affine_map<(d0, d1) -> (0, 0)>
module attributes {stable_mosaic.version = 14 : i64} {
  func.func @_sc_agg(%arg0: i32, %arg1: i32, %arg2: memref<32x125x80xi32, #tpu.memory_space<hbm>>, %arg3: memref<32x125x80xi32, #tpu.memory_space<hbm>>, %arg4: memref<10000x128xf32, #tpu.memory_space<hbm>>, %arg5: memref<640x128xf32, #tpu.memory_space<hbm>>, %arg6: memref<2x10000x128xf32, #tpu.memory_space<hbm>>, %arg7: memref<125x80xi32, #tpu.memory_space<vmem>>, %arg8: memref<125x80xi32, #tpu.memory_space<vmem>>, %arg9: memref<80x128xf32, #tpu.memory_space<vmem>>, %arg10: memref<10000x128xf32, #tpu.memory_space<vmem_shared>>, %arg11: memref<!tpu.dma_semaphore, #tpu.memory_space<semaphore_mem>>) attributes {dimension_semantics = [#tpu.dimension_semantics<core_parallel>, #tpu.dimension_semantics<subcore_parallel>], iteration_bounds = array<i64: 2, 16>, scalar_prefetch = 0 : i64, scratch_operands = 5 : i64, tpu.core_type = #tpu.core_type<sc_vector_subcore>, window_params = [{transform_indices = #map}, {transform_indices = #map}, {transform_indices = #map1}, {transform_indices = #map1}, {transform_indices = #map}]} {
    %mul3A = arith.constant 16 : i32
    %mul3A_0 = arith.muli %arg0, %mul3A : i32
    %add3A = arith.addi %mul3A_0, %arg1 : i32
    %mul3A_1 = arith.constant 624 : i32
    %mul3A_2 = arith.muli %arg1, %mul3A_1 : i32
    %add3A_3 = arith.constant 16 : i32
    %add3A_4 = arith.addi %add3A_3, %mul3A_2 : i32
    %multiple_of3A = tpu.assume_multiple %add3A_4, 8 : i32
    %eq3A = arith.constant 0 : i32
    %eq3A_5 = arith.cmpi eq, %arg1, %eq3A : i32
    %convert_element_type3A = arith.extui %eq3A_5 : i1 to i32
    %cond3A = arith.constant 0 : i32
    %cond3A_6 = arith.cmpi ne, %convert_element_type3A, %cond3A : i32
    scf.if %cond3A_6 {
      "tpu.region"() ({
        %run_scoped3A = tpu.sem_alloc : memref<!tpu.dma_semaphore, #tpu.memory_space<semaphore_mem>>
        %dma_start3A = arith.constant 0 : i32
        %dma_start3A_27 = arith.constant 0 : i32
        %dma_start3A_28 = tpu.memref_slice %arg10[%dma_start3A, %dma_start3A_27] : memref<10000x128xf32, #tpu.memory_space<vmem_shared>> -> memref<640x128xf32, #tpu.memory_space<vmem_shared>>
        tpu.enqueue_dma source(%arg5 : memref<640x128xf32, #tpu.memory_space<hbm>>) target(%dma_start3A_28 : memref<640x128xf32, #tpu.memory_space<vmem_shared>>) target_semaphore(%run_scoped3A : memref<!tpu.dma_semaphore, #tpu.memory_space<semaphore_mem>>)
        %dma_wait3A = arith.constant 0 : i32
        %dma_wait3A_29 = arith.constant 0 : i32
        %dma_wait3A_30 = tpu.memref_slice %arg10[%dma_wait3A, %dma_wait3A_29] : memref<10000x128xf32, #tpu.memory_space<vmem_shared>> -> memref<640x128xf32, #tpu.memory_space<vmem_shared>>
        tpu.wait_dma2 semaphore(%run_scoped3A : memref<!tpu.dma_semaphore, #tpu.memory_space<semaphore_mem>>) src(%arg5 : memref<640x128xf32, #tpu.memory_space<hbm>>) dst(%dma_wait3A_30 : memref<640x128xf32, #tpu.memory_space<vmem_shared>>)
        tpu.yield
      }) : () -> ()
    } else {
    }
    %ne3A = arith.constant 0 : i32
    %ne3A_7 = arith.cmpi ne, %arg1, %ne3A : i32
    %convert_element_type3A_8 = arith.extui %ne3A_7 : i1 to i32
    %cond3A_9 = arith.constant 0 : i32
    %cond3A_10 = arith.cmpi ne, %convert_element_type3A_8, %cond3A_9 : i32
    scf.if %cond3A_10 {
      "tpu.region"() ({
        %run_scoped3A = tpu.sem_alloc : memref<!tpu.dma_semaphore, #tpu.memory_space<semaphore_mem>>
        %dma_start3A = arith.constant 0 : i32
        %dma_start3A_27 = tpu.memref_slice %arg10[%multiple_of3A, %dma_start3A] : memref<10000x128xf32, #tpu.memory_space<vmem_shared>> -> memref<624x128xf32, #tpu.memory_space<vmem_shared>>
        %dma_start3A_28 = arith.constant 0 : i32
        %dma_start3A_29 = arith.constant 0 : i32
        %dma_start3A_30 = tpu.memref_slice %arg5[%dma_start3A_28, %dma_start3A_29] : memref<640x128xf32, #tpu.memory_space<hbm>> -> memref<624x128xf32, #tpu.memory_space<hbm>>
        tpu.enqueue_dma source(%dma_start3A_30 : memref<624x128xf32, #tpu.memory_space<hbm>>) target(%dma_start3A_27 : memref<624x128xf32, #tpu.memory_space<vmem_shared>>) target_semaphore(%run_scoped3A : memref<!tpu.dma_semaphore, #tpu.memory_space<semaphore_mem>>)
        %dma_wait3A = arith.constant 0 : i32
        %dma_wait3A_31 = tpu.memref_slice %arg10[%multiple_of3A, %dma_wait3A] : memref<10000x128xf32, #tpu.memory_space<vmem_shared>> -> memref<624x128xf32, #tpu.memory_space<vmem_shared>>
        %dma_wait3A_32 = arith.constant 0 : i32
        %dma_wait3A_33 = arith.constant 0 : i32
        %dma_wait3A_34 = tpu.memref_slice %arg5[%dma_wait3A_32, %dma_wait3A_33] : memref<640x128xf32, #tpu.memory_space<hbm>> -> memref<624x128xf32, #tpu.memory_space<hbm>>
        tpu.wait_dma2 semaphore(%run_scoped3A : memref<!tpu.dma_semaphore, #tpu.memory_space<semaphore_mem>>) src(%dma_wait3A_34 : memref<624x128xf32, #tpu.memory_space<hbm>>) dst(%dma_wait3A_31 : memref<624x128xf32, #tpu.memory_space<vmem_shared>>)
        tpu.yield
      }) : () -> ()
    } else {
    }
    %barrier3A = arith.constant 0 : index
    tpu.barrier barrier_id(%barrier3A)
    "tpu.region"() ({
      %run_scoped3A = tpu.sem_alloc : memref<!tpu.dma_semaphore, #tpu.memory_space<semaphore_mem>>
      %dma_start3A = arith.constant 0 : i32
      %dma_start3A_27 = arith.constant 0 : i32
      %dma_start3A_28 = tpu.memref_slice %arg2[%add3A, %dma_start3A, %dma_start3A_27] : memref<32x125x80xi32, #tpu.memory_space<hbm>> -> memref<1x125x80xi32, #tpu.memory_space<hbm>>
      %dma_start3A_29 = tpu.memref_squeeze %dma_start3A_28 : memref<1x125x80xi32, #tpu.memory_space<hbm>> -> memref<125x80xi32, #tpu.memory_space<hbm>>
      %dma_start3A_30 = arith.constant 0 : i32
      %dma_start3A_31 = arith.constant 0 : i32
      %dma_start3A_32 = tpu.memref_slice %arg2[%add3A, %dma_start3A_30, %dma_start3A_31] : memref<32x125x80xi32, #tpu.memory_space<hbm>> -> memref<1x125x80xi32, #tpu.memory_space<hbm>>
      %dma_start3A_33 = tpu.memref_squeeze %dma_start3A_32 : memref<1x125x80xi32, #tpu.memory_space<hbm>> -> memref<125x80xi32, #tpu.memory_space<hbm>>
      tpu.enqueue_dma source(%dma_start3A_33 : memref<125x80xi32, #tpu.memory_space<hbm>>) target(%arg7 : memref<125x80xi32, #tpu.memory_space<vmem>>) target_semaphore(%run_scoped3A : memref<!tpu.dma_semaphore, #tpu.memory_space<semaphore_mem>>)
      %dma_wait3A = arith.constant 0 : i32
      %dma_wait3A_34 = arith.constant 0 : i32
      %dma_wait3A_35 = tpu.memref_slice %arg2[%add3A, %dma_wait3A, %dma_wait3A_34] : memref<32x125x80xi32, #tpu.memory_space<hbm>> -> memref<1x125x80xi32, #tpu.memory_space<hbm>>
      %dma_wait3A_36 = tpu.memref_squeeze %dma_wait3A_35 : memref<1x125x80xi32, #tpu.memory_space<hbm>> -> memref<125x80xi32, #tpu.memory_space<hbm>>
      %dma_wait3A_37 = arith.constant 0 : i32
      %dma_wait3A_38 = arith.constant 0 : i32
      %dma_wait3A_39 = tpu.memref_slice %arg2[%add3A, %dma_wait3A_37, %dma_wait3A_38] : memref<32x125x80xi32, #tpu.memory_space<hbm>> -> memref<1x125x80xi32, #tpu.memory_space<hbm>>
      %dma_wait3A_40 = tpu.memref_squeeze %dma_wait3A_39 : memref<1x125x80xi32, #tpu.memory_space<hbm>> -> memref<125x80xi32, #tpu.memory_space<hbm>>
      tpu.wait_dma2 semaphore(%run_scoped3A : memref<!tpu.dma_semaphore, #tpu.memory_space<semaphore_mem>>) src(%dma_wait3A_40 : memref<125x80xi32, #tpu.memory_space<hbm>>) dst(%arg7 : memref<125x80xi32, #tpu.memory_space<vmem>>)
      tpu.yield
    }) : () -> ()
    "tpu.region"() ({
      %run_scoped3A = tpu.sem_alloc : memref<!tpu.dma_semaphore, #tpu.memory_space<semaphore_mem>>
      %dma_start3A = arith.constant 0 : i32
      %dma_start3A_27 = arith.constant 0 : i32
      %dma_start3A_28 = tpu.memref_slice %arg3[%add3A, %dma_start3A, %dma_start3A_27] : memref<32x125x80xi32, #tpu.memory_space<hbm>> -> memref<1x125x80xi32, #tpu.memory_space<hbm>>
      %dma_start3A_29 = tpu.memref_squeeze %dma_start3A_28 : memref<1x125x80xi32, #tpu.memory_space<hbm>> -> memref<125x80xi32, #tpu.memory_space<hbm>>
      %dma_start3A_30 = arith.constant 0 : i32
      %dma_start3A_31 = arith.constant 0 : i32
      %dma_start3A_32 = tpu.memref_slice %arg3[%add3A, %dma_start3A_30, %dma_start3A_31] : memref<32x125x80xi32, #tpu.memory_space<hbm>> -> memref<1x125x80xi32, #tpu.memory_space<hbm>>
      %dma_start3A_33 = tpu.memref_squeeze %dma_start3A_32 : memref<1x125x80xi32, #tpu.memory_space<hbm>> -> memref<125x80xi32, #tpu.memory_space<hbm>>
      tpu.enqueue_dma source(%dma_start3A_33 : memref<125x80xi32, #tpu.memory_space<hbm>>) target(%arg8 : memref<125x80xi32, #tpu.memory_space<vmem>>) target_semaphore(%run_scoped3A : memref<!tpu.dma_semaphore, #tpu.memory_space<semaphore_mem>>)
      %dma_wait3A = arith.constant 0 : i32
      %dma_wait3A_34 = arith.constant 0 : i32
      %dma_wait3A_35 = tpu.memref_slice %arg3[%add3A, %dma_wait3A, %dma_wait3A_34] : memref<32x125x80xi32, #tpu.memory_space<hbm>> -> memref<1x125x80xi32, #tpu.memory_space<hbm>>
      %dma_wait3A_36 = tpu.memref_squeeze %dma_wait3A_35 : memref<1x125x80xi32, #tpu.memory_space<hbm>> -> memref<125x80xi32, #tpu.memory_space<hbm>>
      %dma_wait3A_37 = arith.constant 0 : i32
      %dma_wait3A_38 = arith.constant 0 : i32
      %dma_wait3A_39 = tpu.memref_slice %arg3[%add3A, %dma_wait3A_37, %dma_wait3A_38] : memref<32x125x80xi32, #tpu.memory_space<hbm>> -> memref<1x125x80xi32, #tpu.memory_space<hbm>>
      %dma_wait3A_40 = tpu.memref_squeeze %dma_wait3A_39 : memref<1x125x80xi32, #tpu.memory_space<hbm>> -> memref<125x80xi32, #tpu.memory_space<hbm>>
      tpu.wait_dma2 semaphore(%run_scoped3A : memref<!tpu.dma_semaphore, #tpu.memory_space<semaphore_mem>>) src(%dma_wait3A_40 : memref<125x80xi32, #tpu.memory_space<hbm>>) dst(%arg8 : memref<125x80xi32, #tpu.memory_space<vmem>>)
      tpu.yield
    }) : () -> ()
    %scan3A = arith.constant 0 : i32
    %scan3A_11 = arith.constant 0 : i32
    %scan3A_12 = arith.constant 125 : i32
    %scan3A_13 = arith.addi %scan3A_11, %scan3A_12 : i32
    %scan3A_14 = arith.constant 1 : i32
    scf.for %scan3A_27 = %scan3A_11 to %scan3A_13 step %scan3A_14  : i32 {
      %dma_start3A = arith.constant 0 : i32
      %dma_start3A_28 = tpu.memref_slice %arg7[%scan3A_27, %dma_start3A] : memref<125x80xi32, #tpu.memory_space<vmem>> -> memref<1x80xi32, #tpu.memory_space<vmem>>
      %dma_start3A_29 = tpu.memref_squeeze %dma_start3A_28 : memref<1x80xi32, #tpu.memory_space<vmem>> -> memref<80xi32, #tpu.memory_space<vmem>>
      %dma_start3A_30 = arith.constant 0 : i32
      %dma_start3A_31 = arith.constant 0 : i32
      %dma_start3A_32 = tpu.memref_slice %arg4[%dma_start3A_30, %dma_start3A_31] : memref<10000x128xf32, #tpu.memory_space<hbm>> -> memref<10000x128xf32, #tpu.memory_space<hbm>>
      tpu.enqueue_indirect_dma source(%dma_start3A_32 : memref<10000x128xf32, #tpu.memory_space<hbm>>) target(%arg9 : memref<80x128xf32, #tpu.memory_space<vmem>>) offsets(%dma_start3A_29 : memref<80xi32, #tpu.memory_space<vmem>>) semaphore(%arg11 : memref<!tpu.dma_semaphore, #tpu.memory_space<semaphore_mem>>)
      %dma_wait3A = arith.constant 0 : i32
      %dma_wait3A_33 = tpu.memref_slice %arg7[%scan3A_27, %dma_wait3A] : memref<125x80xi32, #tpu.memory_space<vmem>> -> memref<1x80xi32, #tpu.memory_space<vmem>>
      %dma_wait3A_34 = tpu.memref_squeeze %dma_wait3A_33 : memref<1x80xi32, #tpu.memory_space<vmem>> -> memref<80xi32, #tpu.memory_space<vmem>>
      %dma_wait3A_35 = arith.constant 0 : i32
      %dma_wait3A_36 = arith.constant 0 : i32
      %dma_wait3A_37 = tpu.memref_slice %arg4[%dma_wait3A_35, %dma_wait3A_36] : memref<10000x128xf32, #tpu.memory_space<hbm>> -> memref<10000x128xf32, #tpu.memory_space<hbm>>
      tpu.wait_indirect_dma semaphore(%arg11 : memref<!tpu.dma_semaphore, #tpu.memory_space<semaphore_mem>>) src(%dma_wait3A_37 : memref<10000x128xf32, #tpu.memory_space<hbm>>) dst(%arg9 : memref<80x128xf32, #tpu.memory_space<vmem>>)
      "tpu.region"() ({
        %run_scoped3A = tpu.sem_alloc : memref<!tpu.dma_semaphore, #tpu.memory_space<semaphore_mem>>
        %dma_start3A_38 = arith.constant 0 : i32
        %dma_start3A_39 = tpu.memref_slice %arg8[%scan3A_27, %dma_start3A_38] : memref<125x80xi32, #tpu.memory_space<vmem>> -> memref<1x80xi32, #tpu.memory_space<vmem>>
        %dma_start3A_40 = tpu.memref_squeeze %dma_start3A_39 : memref<1x80xi32, #tpu.memory_space<vmem>> -> memref<80xi32, #tpu.memory_space<vmem>>
        %dma_start3A_41 = arith.constant 0 : i32
        %dma_start3A_42 = arith.constant 0 : i32
        %dma_start3A_43 = tpu.memref_slice %arg10[%dma_start3A_41, %dma_start3A_42] : memref<10000x128xf32, #tpu.memory_space<vmem_shared>> -> memref<10000x128xf32, #tpu.memory_space<vmem_shared>>
        tpu.enqueue_indirect_dma source(%arg9 : memref<80x128xf32, #tpu.memory_space<vmem>>) target(%dma_start3A_43 : memref<10000x128xf32, #tpu.memory_space<vmem_shared>>) offsets(%dma_start3A_40 : memref<80xi32, #tpu.memory_space<vmem>>) semaphore(%run_scoped3A : memref<!tpu.dma_semaphore, #tpu.memory_space<semaphore_mem>>) {add = true}
        %dma_wait3A_44 = arith.constant 0 : i32
        %dma_wait3A_45 = tpu.memref_slice %arg8[%scan3A_27, %dma_wait3A_44] : memref<125x80xi32, #tpu.memory_space<vmem>> -> memref<1x80xi32, #tpu.memory_space<vmem>>
        %dma_wait3A_46 = tpu.memref_squeeze %dma_wait3A_45 : memref<1x80xi32, #tpu.memory_space<vmem>> -> memref<80xi32, #tpu.memory_space<vmem>>
        %dma_wait3A_47 = arith.constant 0 : i32
        %dma_wait3A_48 = arith.constant 0 : i32
        %dma_wait3A_49 = tpu.memref_slice %arg10[%dma_wait3A_47, %dma_wait3A_48] : memref<10000x128xf32, #tpu.memory_space<vmem_shared>> -> memref<10000x128xf32, #tpu.memory_space<vmem_shared>>
        tpu.wait_indirect_dma semaphore(%run_scoped3A : memref<!tpu.dma_semaphore, #tpu.memory_space<semaphore_mem>>) src(%arg9 : memref<80x128xf32, #tpu.memory_space<vmem>>) dst(%dma_wait3A_49 : memref<10000x128xf32, #tpu.memory_space<vmem_shared>>)
        tpu.yield
      }) : () -> ()
    }
    %scan3A_15 = arith.constant 125 : i32
    %barrier3A_16 = arith.constant 0 : index
    tpu.barrier barrier_id(%barrier3A_16)
    %eq3A_17 = arith.constant 0 : i32
    %eq3A_18 = arith.cmpi eq, %arg1, %eq3A_17 : i32
    %convert_element_type3A_19 = arith.extui %eq3A_18 : i1 to i32
    %cond3A_20 = arith.constant 0 : i32
    %cond3A_21 = arith.cmpi ne, %convert_element_type3A_19, %cond3A_20 : i32
    scf.if %cond3A_21 {
      "tpu.region"() ({
        %run_scoped3A = tpu.sem_alloc : memref<!tpu.dma_semaphore, #tpu.memory_space<semaphore_mem>>
        %dma_start3A = arith.constant 0 : i32
        %dma_start3A_27 = arith.constant 0 : i32
        %dma_start3A_28 = tpu.memref_slice %arg6[%arg0, %dma_start3A, %dma_start3A_27] : memref<2x10000x128xf32, #tpu.memory_space<hbm>> -> memref<1x640x128xf32, #tpu.memory_space<hbm>>
        %dma_start3A_29 = tpu.memref_squeeze %dma_start3A_28 : memref<1x640x128xf32, #tpu.memory_space<hbm>> -> memref<640x128xf32, #tpu.memory_space<hbm>>
        %dma_start3A_30 = arith.constant 0 : i32
        %dma_start3A_31 = arith.constant 0 : i32
        %dma_start3A_32 = tpu.memref_slice %arg10[%dma_start3A_30, %dma_start3A_31] : memref<10000x128xf32, #tpu.memory_space<vmem_shared>> -> memref<640x128xf32, #tpu.memory_space<vmem_shared>>
        tpu.enqueue_dma source(%dma_start3A_32 : memref<640x128xf32, #tpu.memory_space<vmem_shared>>) target(%dma_start3A_29 : memref<640x128xf32, #tpu.memory_space<hbm>>) target_semaphore(%run_scoped3A : memref<!tpu.dma_semaphore, #tpu.memory_space<semaphore_mem>>)
        %dma_wait3A = arith.constant 0 : i32
        %dma_wait3A_33 = arith.constant 0 : i32
        %dma_wait3A_34 = tpu.memref_slice %arg6[%arg0, %dma_wait3A, %dma_wait3A_33] : memref<2x10000x128xf32, #tpu.memory_space<hbm>> -> memref<1x640x128xf32, #tpu.memory_space<hbm>>
        %dma_wait3A_35 = tpu.memref_squeeze %dma_wait3A_34 : memref<1x640x128xf32, #tpu.memory_space<hbm>> -> memref<640x128xf32, #tpu.memory_space<hbm>>
        %dma_wait3A_36 = arith.constant 0 : i32
        %dma_wait3A_37 = arith.constant 0 : i32
        %dma_wait3A_38 = tpu.memref_slice %arg10[%dma_wait3A_36, %dma_wait3A_37] : memref<10000x128xf32, #tpu.memory_space<vmem_shared>> -> memref<640x128xf32, #tpu.memory_space<vmem_shared>>
        tpu.wait_dma2 semaphore(%run_scoped3A : memref<!tpu.dma_semaphore, #tpu.memory_space<semaphore_mem>>) src(%dma_wait3A_38 : memref<640x128xf32, #tpu.memory_space<vmem_shared>>) dst(%dma_wait3A_35 : memref<640x128xf32, #tpu.memory_space<hbm>>)
        tpu.yield
      }) : () -> ()
    } else {
    }
    %ne3A_22 = arith.constant 0 : i32
    %ne3A_23 = arith.cmpi ne, %arg1, %ne3A_22 : i32
    %convert_element_type3A_24 = arith.extui %ne3A_23 : i1 to i32
    %cond3A_25 = arith.constant 0 : i32
    %cond3A_26 = arith.cmpi ne, %convert_element_type3A_24, %cond3A_25 : i32
    scf.if %cond3A_26 {
      "tpu.region"() ({
        %run_scoped3A = tpu.sem_alloc : memref<!tpu.dma_semaphore, #tpu.memory_space<semaphore_mem>>
        %dma_start3A = arith.constant 0 : i32
        %dma_start3A_27 = tpu.memref_slice %arg6[%arg0, %multiple_of3A, %dma_start3A] : memref<2x10000x128xf32, #tpu.memory_space<hbm>> -> memref<1x624x128xf32, #tpu.memory_space<hbm>>
        %dma_start3A_28 = tpu.memref_squeeze %dma_start3A_27 : memref<1x624x128xf32, #tpu.memory_space<hbm>> -> memref<624x128xf32, #tpu.memory_space<hbm>>
        %dma_start3A_29 = arith.constant 0 : i32
        %dma_start3A_30 = tpu.memref_slice %arg10[%multiple_of3A, %dma_start3A_29] : memref<10000x128xf32, #tpu.memory_space<vmem_shared>> -> memref<624x128xf32, #tpu.memory_space<vmem_shared>>
        tpu.enqueue_dma source(%dma_start3A_30 : memref<624x128xf32, #tpu.memory_space<vmem_shared>>) target(%dma_start3A_28 : memref<624x128xf32, #tpu.memory_space<hbm>>) target_semaphore(%run_scoped3A : memref<!tpu.dma_semaphore, #tpu.memory_space<semaphore_mem>>)
        %dma_wait3A = arith.constant 0 : i32
        %dma_wait3A_31 = tpu.memref_slice %arg6[%arg0, %multiple_of3A, %dma_wait3A] : memref<2x10000x128xf32, #tpu.memory_space<hbm>> -> memref<1x624x128xf32, #tpu.memory_space<hbm>>
        %dma_wait3A_32 = tpu.memref_squeeze %dma_wait3A_31 : memref<1x624x128xf32, #tpu.memory_space<hbm>> -> memref<624x128xf32, #tpu.memory_space<hbm>>
        %dma_wait3A_33 = arith.constant 0 : i32
        %dma_wait3A_34 = tpu.memref_slice %arg10[%multiple_of3A, %dma_wait3A_33] : memref<10000x128xf32, #tpu.memory_space<vmem_shared>> -> memref<624x128xf32, #tpu.memory_space<vmem_shared>>
        tpu.wait_dma2 semaphore(%run_scoped3A : memref<!tpu.dma_semaphore, #tpu.memory_space<semaphore_mem>>) src(%dma_wait3A_34 : memref<624x128xf32, #tpu.memory_space<vmem_shared>>) dst(%dma_wait3A_32 : memref<624x128xf32, #tpu.memory_space<hbm>>)
        tpu.yield
      }) : () -> ()
    } else {
    }
    return
  }
}

module attributes {stable_mosaic.version = 14 : i64} {
  func.func @_embed_body(%arg0: i32, %arg1: memref<1x1x1000xi32, #tpu.memory_space<vmem>>, %arg2: memref<1000x128xf32, #tpu.memory_space<vmem>>, %arg3: memref<16x128xf32, #tpu.memory_space<vmem>>, %arg4: memref<1000x128xf32, #tpu.memory_space<vmem>>) attributes {dimension_semantics = [#tpu.dimension_semantics<arbitrary>], iteration_bounds = array<i64: 10>, scalar_prefetch = 0 : i64, scratch_operands = 0 : i64, tpu.core_type = #tpu.core_type<tc>, window_params = [{transform_indices = @transform_0, window_bounds = array<i64: 1, 1, 1000>}, {transform_indices = @transform_1, window_bounds = array<i64: 1000, 128>}, {pipeline_mode = #tpu.pipeline_mode<synchronous>, transform_indices = @transform_2, window_bounds = array<i64: 16, 128>}, {transform_indices = @transform_3, window_bounds = array<i64: 1000, 128>}]} {
    %get3A = arith.constant 0 : index
    %get3A_0 = arith.constant 0 : index
    %get3A_1 = arith.constant 0 : index
    %get3A_2 = vector.load %arg1[%get3A, %get3A_0, %get3A_1] : memref<1x1x1000xi32, #tpu.memory_space<vmem>>, vector<1x1x1000xi32>
    %get3A_3 = vector.shape_cast %get3A_2 : vector<1x1x1000xi32> to vector<1000xi32>
    %broadcast_in_dim3A = vector.shape_cast %get3A_3 : vector<1000xi32> to vector<1000x1xi32>
    %iota3A = tpu.iota {dimensions = array<i32: 1>} : vector<1x16xi32>
    %eq3A = vector.broadcast %broadcast_in_dim3A : vector<1000x1xi32> to vector<1000x16xi32>
    %eq3A_4 = vector.broadcast %iota3A : vector<1x16xi32> to vector<1000x16xi32>
    %eq3A_5 = arith.cmpi eq, %eq3A, %eq3A_4 : vector<1000x16xi32>
    %convert_element_type3A = arith.extui %eq3A_5 : vector<1000x16xi1> to vector<1000x16xi32>
    %convert_element_type3A_6 = arith.sitofp %convert_element_type3A : vector<1000x16xi32> to vector<1000x16xf32>
    %get3A_7 = arith.constant 0 : index
    %get3A_8 = arith.constant 0 : index
    %get3A_9 = vector.load %arg2[%get3A_7, %get3A_8] : memref<1000x128xf32, #tpu.memory_space<vmem>>, vector<1000x128xf32>
    %get3A_10 = arith.constant 0 : index
    %get3A_11 = arith.constant 0 : index
    %get3A_12 = vector.load %arg3[%get3A_10, %get3A_11] : memref<16x128xf32, #tpu.memory_space<vmem>>, vector<16x128xf32>
    %dot_general3A = arith.constant dense<0.000000e+00> : vector<1000x128xf32>
    %dot_general3A_13 = tpu.matmul %convert_element_type3A_6, %get3A_12, %dot_general3A {dimension_numbers = #tpu.dot_dimension_numbers<[1], [0], [0], [1], [0, 0, 1, 1], [], []>, transpose_lhs_hint = false} : vector<1000x16xf32>, vector<16x128xf32>, vector<1000x128xf32> -> vector<1000x128xf32>
    %add3A = arith.addf %get3A_9, %dot_general3A_13 : vector<1000x128xf32>
    %swap3A = arith.constant 0 : index
    %swap3A_14 = arith.constant 0 : index
    %swap3A_15 = vector.load %arg4[%swap3A, %swap3A_14] : memref<1000x128xf32, #tpu.memory_space<vmem>>, vector<1000x128xf32>
    tpu.vector_store %arg4[%swap3A, %swap3A_14], %add3A {strides = array<i32>} : memref<1000x128xf32, #tpu.memory_space<vmem>>, vector<1000x128xf32>,
    return
  }
  func.func @transform_0(%arg0: i32) -> (i32, i32, i32) {
    %c0_i32 = arith.constant 0 : i32
    %c0_i32_0 = arith.constant 0 : i32
    %c0_i32_1 = arith.constant 0 : i32
    return %arg0, %c0_i32, %c0_i32_0 : i32, i32, i32
  }
  func.func @transform_1(%arg0: i32) -> (i32, i32) {
    %c0_i32 = arith.constant 0 : i32
    %c0_i32_0 = arith.constant 0 : i32
    return %arg0, %c0_i32 : i32, i32
  }
  func.func @transform_2(%arg0: i32) -> (i32, i32) {
    %c0_i32 = arith.constant 0 : i32
    %c0_i32_0 = arith.constant 0 : i32
    %c0_i32_1 = arith.constant 0 : i32
    return %c0_i32, %c0_i32_0 : i32, i32
  }
  func.func @transform_3(%arg0: i32) -> (i32, i32) {
    %c0_i32 = arith.constant 0 : i32
    %c0_i32_0 = arith.constant 0 : i32
    return %arg0, %c0_i32 : i32, i32
  }
}

module attributes {stable_mosaic.version = 14 : i64} {
  func.func @_mlp_body(%arg0: i32, %arg1: memref<2x1000x128xf32, #tpu.memory_space<vmem>>, %arg2: memref<128x128xf32, #tpu.memory_space<vmem>>, %arg3: memref<1x128xf32, #tpu.memory_space<vmem>>, %arg4: memref<128x128xf32, #tpu.memory_space<vmem>>, %arg5: memref<1000x128xf32, #tpu.memory_space<vmem>>) attributes {dimension_semantics = [#tpu.dimension_semantics<arbitrary>], iteration_bounds = array<i64: 10>, scalar_prefetch = 0 : i64, scratch_operands = 0 : i64, tpu.core_type = #tpu.core_type<tc>, window_params = [{transform_indices = @transform_0, window_bounds = array<i64: 2, 1000, 128>}, {pipeline_mode = #tpu.pipeline_mode<synchronous>, transform_indices = @transform_1, window_bounds = array<i64: 128, 128>}, {pipeline_mode = #tpu.pipeline_mode<synchronous>, transform_indices = @transform_2, window_bounds = array<i64: 1, 128>}, {pipeline_mode = #tpu.pipeline_mode<synchronous>, transform_indices = @transform_3, window_bounds = array<i64: 128, 128>}, {transform_indices = @transform_4, window_bounds = array<i64: 1000, 128>}]} {
    %get3A = arith.constant 0 : index
    %get3A_0 = arith.constant 0 : index
    %get3A_1 = arith.constant 0 : index
    %get3A_2 = vector.load %arg1[%get3A, %get3A_0, %get3A_1] : memref<2x1000x128xf32, #tpu.memory_space<vmem>>, vector<1x1000x128xf32>
    %get3A_3 = vector.shape_cast %get3A_2 : vector<1x1000x128xf32> to vector<1000x128xf32>
    %get3A_4 = arith.constant 1 : index
    %get3A_5 = arith.constant 0 : index
    %get3A_6 = arith.constant 0 : index
    %get3A_7 = vector.load %arg1[%get3A_4, %get3A_5, %get3A_6] : memref<2x1000x128xf32, #tpu.memory_space<vmem>>, vector<1x1000x128xf32>
    %get3A_8 = vector.shape_cast %get3A_7 : vector<1x1000x128xf32> to vector<1000x128xf32>
    %add3A = arith.addf %get3A_3, %get3A_8 : vector<1000x128xf32>
    %get3A_9 = arith.constant 0 : index
    %get3A_10 = arith.constant 0 : index
    %get3A_11 = vector.load %arg2[%get3A_9, %get3A_10] : memref<128x128xf32, #tpu.memory_space<vmem>>, vector<128x128xf32>
    %dot_general3A = arith.constant dense<0.000000e+00> : vector<1000x128xf32>
    %dot_general3A_12 = tpu.matmul %add3A, %get3A_11, %dot_general3A {dimension_numbers = #tpu.dot_dimension_numbers<[1], [0], [0], [1], [0, 0, 1, 1], [], []>, transpose_lhs_hint = false} : vector<1000x128xf32>, vector<128x128xf32>, vector<1000x128xf32> -> vector<1000x128xf32>
    %get3A_13 = arith.constant 0 : index
    %get3A_14 = arith.constant 0 : index
    %get3A_15 = vector.load %arg3[%get3A_13, %get3A_14] : memref<1x128xf32, #tpu.memory_space<vmem>>, vector<1x128xf32>
    %add3A_16 = vector.broadcast %get3A_15 : vector<1x128xf32> to vector<1000x128xf32>
    %add3A_17 = arith.addf %dot_general3A_12, %add3A_16 : vector<1000x128xf32>
    %max3A = arith.constant 0.000000e+00 : f32
    %max3A_18 = vector.broadcast %max3A : f32 to vector<1000x128xf32>
    %max3A_19 = arith.maximumf %add3A_17, %max3A_18 : vector<1000x128xf32>
    %get3A_20 = arith.constant 0 : index
    %get3A_21 = arith.constant 0 : index
    %get3A_22 = vector.load %arg4[%get3A_20, %get3A_21] : memref<128x128xf32, #tpu.memory_space<vmem>>, vector<128x128xf32>
    %dot_general3A_23 = arith.constant dense<0.000000e+00> : vector<1000x128xf32>
    %dot_general3A_24 = tpu.matmul %max3A_19, %get3A_22, %dot_general3A_23 {dimension_numbers = #tpu.dot_dimension_numbers<[1], [0], [0], [1], [0, 0, 1, 1], [], []>, transpose_lhs_hint = false} : vector<1000x128xf32>, vector<128x128xf32>, vector<1000x128xf32> -> vector<1000x128xf32>
    %swap3A = arith.constant 0 : index
    %swap3A_25 = arith.constant 0 : index
    %swap3A_26 = vector.load %arg5[%swap3A, %swap3A_25] : memref<1000x128xf32, #tpu.memory_space<vmem>>, vector<1000x128xf32>
    tpu.vector_store %arg5[%swap3A, %swap3A_25], %dot_general3A_24 {strides = array<i32>} : memref<1000x128xf32, #tpu.memory_space<vmem>>, vector<1000x128xf32>,
    return
  }
  func.func @transform_0(%arg0: i32) -> (i32, i32, i32) {
    %c0_i32 = arith.constant 0 : i32
    %c0_i32_0 = arith.constant 0 : i32
    %c0_i32_1 = arith.constant 0 : i32
    return %c0_i32, %arg0, %c0_i32_0 : i32, i32, i32
  }
  func.func @transform_1(%arg0: i32) -> (i32, i32) {
    %c0_i32 = arith.constant 0 : i32
    %c0_i32_0 = arith.constant 0 : i32
    %c0_i32_1 = arith.constant 0 : i32
    return %c0_i32, %c0_i32_0 : i32, i32
  }
  func.func @transform_2(%arg0: i32) -> (i32, i32) {
    %c0_i32 = arith.constant 0 : i32
    %c0_i32_0 = arith.constant 0 : i32
    %c0_i32_1 = arith.constant 0 : i32
    return %c0_i32, %c0_i32_0 : i32, i32
  }
  func.func @transform_3(%arg0: i32) -> (i32, i32) {
    %c0_i32 = arith.constant 0 : i32
    %c0_i32_0 = arith.constant 0 : i32
    %c0_i32_1 = arith.constant 0 : i32
    return %c0_i32, %c0_i32_0 : i32, i32
  }
  func.func @transform_4(%arg0: i32) -> (i32, i32) {
    %c0_i32 = arith.constant 0 : i32
    %c0_i32_0 = arith.constant 0 : i32
    return %arg0, %c0_i32 : i32, i32
  }
}

module attributes {stable_mosaic.version = 14 : i64} {
  func.func @_final_body(%arg0: i32, %arg1: memref<2x1000x128xf32, #tpu.memory_space<vmem>>, %arg2: memref<1x128xf32, #tpu.memory_space<vmem>>, %arg3: memref<1000x128xf32, #tpu.memory_space<vmem>>) attributes {dimension_semantics = [#tpu.dimension_semantics<arbitrary>], iteration_bounds = array<i64: 10>, scalar_prefetch = 0 : i64, scratch_operands = 0 : i64, tpu.core_type = #tpu.core_type<tc>, window_params = [{transform_indices = @transform_0, window_bounds = array<i64: 2, 1000, 128>}, {pipeline_mode = #tpu.pipeline_mode<synchronous>, transform_indices = @transform_1, window_bounds = array<i64: 1, 128>}, {transform_indices = @transform_2, window_bounds = array<i64: 1000, 128>}]} {
    %get3A = arith.constant 0 : index
    %get3A_0 = arith.constant 0 : index
    %get3A_1 = arith.constant 0 : index
    %get3A_2 = vector.load %arg1[%get3A, %get3A_0, %get3A_1] : memref<2x1000x128xf32, #tpu.memory_space<vmem>>, vector<1x1000x128xf32>
    %get3A_3 = vector.shape_cast %get3A_2 : vector<1x1000x128xf32> to vector<1000x128xf32>
    %get3A_4 = arith.constant 1 : index
    %get3A_5 = arith.constant 0 : index
    %get3A_6 = arith.constant 0 : index
    %get3A_7 = vector.load %arg1[%get3A_4, %get3A_5, %get3A_6] : memref<2x1000x128xf32, #tpu.memory_space<vmem>>, vector<1x1000x128xf32>
    %get3A_8 = vector.shape_cast %get3A_7 : vector<1x1000x128xf32> to vector<1000x128xf32>
    %add3A = arith.addf %get3A_3, %get3A_8 : vector<1000x128xf32>
    %get3A_9 = arith.constant 0 : index
    %get3A_10 = arith.constant 0 : index
    %get3A_11 = vector.load %arg2[%get3A_9, %get3A_10] : memref<1x128xf32, #tpu.memory_space<vmem>>, vector<1x128xf32>
    %add3A_12 = vector.broadcast %get3A_11 : vector<1x128xf32> to vector<1000x128xf32>
    %add3A_13 = arith.addf %add3A, %add3A_12 : vector<1000x128xf32>
    %swap3A = arith.constant 0 : index
    %swap3A_14 = arith.constant 0 : index
    %swap3A_15 = vector.load %arg3[%swap3A, %swap3A_14] : memref<1000x128xf32, #tpu.memory_space<vmem>>, vector<1000x128xf32>
    tpu.vector_store %arg3[%swap3A, %swap3A_14], %add3A_13 {strides = array<i32>} : memref<1000x128xf32, #tpu.memory_space<vmem>>, vector<1000x128xf32>,
    return
  }
  func.func @transform_0(%arg0: i32) -> (i32, i32, i32) {
    %c0_i32 = arith.constant 0 : i32
    %c0_i32_0 = arith.constant 0 : i32
    %c0_i32_1 = arith.constant 0 : i32
    return %c0_i32, %arg0, %c0_i32_0 : i32, i32, i32
  }
  func.func @transform_1(%arg0: i32) -> (i32, i32) {
    %c0_i32 = arith.constant 0 : i32
    %c0_i32_0 = arith.constant 0 : i32
    %c0_i32_1 = arith.constant 0 : i32
    return %c0_i32, %c0_i32_0 : i32, i32
  }
  func.func @transform_2(%arg0: i32) -> (i32, i32) {
    %c0_i32 = arith.constant 0 : i32
    %c0_i32_0 = arith.constant 0 : i32
    return %arg0, %c0_i32 : i32, i32
  }
}

</mosaic_0001>

<sc_bundles>
// kernel: kernel.10.cloned.1.call-start
scs
__scs_entry_jumppad:
0x0: {  	(pc) =	sbr.rel $0x88, $3  }
0x1: {  	(tag) =	ssettag $0x0;
	lr =	simm.s32 $0x1  }
0x2: {  	[smem:$0x3F99] =	sst lr;
	_ =	strace $0xD0000000  }
0x3: {  	_ = 	snop  }
0x4: {  	_ = 	snop  }
0x5: {  	_ = 	snop  }
0x6: {  	_ = 	snop  }
0x7: {  	_ = 	snop  }
__scs_overlays_trampoline_lowered:
0x8: {  	[smem:$0x3FA8] =	sst s0  }
0x9: {  	[smem:$0x3FA9] =	sst s1  }
0xa: {  	[smem:$0x3FAA] =	sst s2  }
0xb: {  	[smem:$0x3FAB] =	sst s3  }
0xc: {  	[smem:$0x3FAC] =	sst s4  }
0xd: {  	[smem:$0x3FAD] =	sst s5  }
0xe: {  	[smem:$0x3FAE] =	sst s6  }
0xf: {  	[smem:$0x3FAF] =	sst s7  }
0x10: {  	[smem:$0x3FB0] =	sst s8  }
0x11: {  	[smem:$0x3FB1] =	sst s9;
	s0 =	simm.s32 @!p0 $0x0  }
0x12: {  	s1 =	sld [smem:$0x3F97];
	s0 =	simm.s32 @p0 $0x1  }
0x13: {  	[smem:$0x3FB2] =	sst s0;
	s0 =	simm.s32 @!p1 $0x0  }
0x14: {  	s2 =	sld [smem:$0x3F96];
	s0 =	simm.s32 @p1 $0x1  }
0x15: {  	[smem:$0x3FB3] =	sst s0;
	s0 =	simm.s32 @!p2 $0x0  }
0x16: {  	s3 =	sld [smem:$0x3FDB];
	s0 =	simm.s32 @p2 $0x1  }
0x17: {  	s4 =	simm.s32 $0x1BF5;
	[smem:$0x3FB5] =	sst s0  }
0x18: {  	s0 =	sld [smem:$0x3F98];
	_ =	swait.ge [sflag:s4], $0x0  }
0x19: {  	s7 =	sld [smem:$0x3F99]  }
0x1a: {  	s8 =	sadd.s32 $0xFFFFE003, lr  }
0x1b: {  	s9 =	sadd.s32 $0xFFFFFEF7, lr;
	s5 =	simm.s32 $0xFFFFFFFF;
	p2 =	slt.u32 s8, $0xFFFFF086  }
0x1c: {  	p1 =	slt.u32 s9, $0xF7A;
	s5 =	simm.s32 @!p2 $0x0  }
0x1d: {  	s5 =	simm.s32 @p1 $0x1;
	p0 =	seq.s32 s7, s2  }
0x1e: {  	s7 =	smul.u32 @!p0 $0xF7A, s2;
	p2 =	seq.s32 @!p0 s5, $0x0  }
0x1f: {  	s9 =	smul.u32 $0xF7A, s1;
	s8 =	simm.s32 @!p0 $0x1BF5;
	p2 =	por !p2, p0  }
0x20: {  	[sflag:s8] =	ssyncset.s32 @!p0 $0xFFFFF086;
	s6 =	sadd.s32 @!p0 s3, s7;
	s7 =	simm.s32 @!p0 $0x108  }
0x21: {  	s3 =	sadd.s32 s3, s9;
	s6 =	sadd.s32 @!p0 $0x88, s6;
	s7 =	simm.s32 @p2 $0x1082  }
0x22: {  	[simem:s7], [sflag:s8] =	dma.local @!p0 [hbm:s6], $0xF7A  }
0x23: {  	s9 =	sor.u32 $0xD0000000, s2;
	s6 =	simm.s32 $0x108;
	_ =	swait.ge @!p0 [sflag:s8], $0x0  }
0x24: {  	s3 =	sadd.s32 $0x88, s3;
	s6 =	simm.s32 @!p1 $0x1082;
	[sflag:s4] =	ssyncset.s32 $0xFFFFF086  }
0x25: {  	[simem:s6], [sflag:s4] =	dma.local [hbm:s3], $0xF7A  }
0x26: {  	[smem:$0x3F99] =	sst s1;
	(tag) =	ssettag s2;
	_ =	strace s9  }
0x27: {  	s1 =	sld [smem:$0x3FA9]  }
0x28: {  	s2 =	sld [smem:$0x3FAA]  }
0x29: {  	s4 =	sld [smem:$0x3FAC]  }
0x2a: {  	p0 =	seq.s32 s5, $0x0;
	s5 =	sld [smem:$0x3FAD]  }
0x2b: {  	s6 =	sld [smem:$0x3FAE]  }
0x2c: {  	s7 =	sld [smem:$0x3FAF]  }
0x2d: {  	s3 =	simm.s32 $0x108;
	s8 =	sld [smem:$0x3FB0]  }
0x2e: {  	s3 =	simm.s32 @!p0 $0x1082;
	s9 =	sld [smem:$0x3FB1]  }
0x2f: {  	lr =	sadd.s32 s0, s3;
	s0 =	sld [smem:$0x3FA8]  }
0x30: {  	s3 =	sld [smem:$0x3FAB]  }
0x31: {  	[smem:$0x3FB4] =	sst s10  }
0x32: {  	s10 =	sld [smem:$0x3FB2];
	_ =	sdelay $0x3  }
0x33: {  	p0 =	seq.s32 s10, $0x1;
	s10 =	sld [smem:$0x3FB4];
	_ =	sdelay $0x3  }
0x34: {  	[smem:$0x3FB4] =	sst s10  }
0x35: {  	s10 =	sld [smem:$0x3FB3];
	_ =	sdelay $0x3  }
0x36: {  	p1 =	seq.s32 s10, $0x1;
	s10 =	sld [smem:$0x3FB4];
	_ =	sdelay $0x3  }
0x37: {  	[smem:$0x3FB4] =	sst s10  }
0x38: {  	s10 =	sld [smem:$0x3FB5]  }
0x39: {  	_ = 	snop;
	(pc) =	sbr.ind lr, $3  }
0x3a: {  	_ = 	snop  }
0x3b: {  	_ = 	snop  }
0x3c: {  	p2 =	seq.s32 s10, $0x1;
	s10 =	sld [smem:$0x3FB4]  }
0x3d: {  	_ =	shalt  }
0x3e: {  	_ =	shalt  }
0x3f: {  	_ =	shalt  }
0x40: {  	_ =	shalt  }
0x41: {  	_ =	shalt  }
0x42: {  	_ =	shalt  }
0x43: {  	_ =	shalt  }
0x44: {  	_ =	shalt  }
0x45: {  	_ =	shalt  }
0x46: {  	_ =	shalt  }
0x47: {  	_ =	shalt  }
0x48: {  	_ =	shalt  }
0x49: {  	_ =	shalt  }
0x4a: {  	_ =	shalt  }
0x4b: {  	_ =	shalt  }
0x4c: {  	_ =	shalt  }
0x4d: {  	_ =	shalt  }
0x4e: {  	_ =	shalt  }
0x4f: {  	_ =	shalt  }
0x50: {  	_ =	shalt  }
0x51: {  	_ =	shalt  }
0x52: {  	_ =	shalt  }
0x53: {  	_ =	shalt  }
0x54: {  	_ =	shalt  }
0x55: {  	_ =	shalt  }
0x56: {  	_ =	shalt  }
0x57: {  	_ =	shalt  }
0x58: {  	_ =	shalt  }
0x59: {  	_ =	shalt  }
0x5a: {  	_ =	shalt  }
0x5b: {  	_ =	shalt  }
0x5c: {  	_ =	shalt  }
0x5d: {  	_ =	shalt  }
0x5e: {  	_ =	shalt  }
0x5f: {  	_ =	shalt  }
0x60: {  	_ =	shalt  }
0x61: {  	_ =	shalt  }
0x62: {  	_ =	shalt  }
0x63: {  	_ =	shalt  }
0x64: {  	_ =	shalt  }
0x65: {  	_ =	shalt  }
0x66: {  	_ =	shalt  }
0x67: {  	_ =	shalt  }
0x68: {  	_ =	shalt  }
0x69: {  	_ =	shalt  }
0x6a: {  	_ =	shalt  }
0x6b: {  	_ =	shalt  }
0x6c: {  	_ =	shalt  }
0x6d: {  	_ =	shalt  }
0x6e: {  	_ =	shalt  }
0x6f: {  	_ =	shalt  }
0x70: {  	_ =	shalt  }
0x71: {  	_ =	shalt  }
0x72: {  	_ =	shalt  }
0x73: {  	_ =	shalt  }
0x74: {  	_ =	shalt  }
0x75: {  	_ =	shalt  }
0x76: {  	_ =	shalt  }
0x77: {  	_ =	shalt  }
0x78: {  	_ =	shalt  }
0x79: {  	_ =	shalt  }
0x7a: {  	_ =	shalt  }
0x7b: {  	_ =	shalt  }
0x7c: {  	_ =	shalt  }
0x7d: {  	_ =	shalt  }
0x7e: {  	_ =	shalt  }
0x7f: {  	_ =	shalt  }
0x80: {  	_ =	shalt  }
0x81: {  	_ =	shalt  }
0x82: {  	_ =	shalt  }
0x83: {  	_ =	shalt  }
0x84: {  	_ =	shalt  }
0x85: {  	_ =	shalt  }
0x86: {  	_ =	shalt  }
0x87: {  	_ =	shalt  }
.Lfunc_end0:
.L_simem_size_0:
called_computation.1_lowered:
.L_overlay_start_0:
0x88: {  	s2 =	sld [smem:$0x3FD9]  }
0x89: {  	s3 =	sld [smem:$0x3FFE];
	_ =	sdelay $0x1  }
0x8a: {  	s1 =	srdreg.scid  }
0x8b: {  	s0 =	sand.u32 $0x1, s1  }
0x8c: {  	s17 =	sshll.u32 s0, $0xA;
	s2 =	sadd.s32 s3, s2  }
0x8d: {  	s2 =	sadd.s32 s2, s17  }
0x8e: {  	[smem:$0x3FC0] =	sst s2  }
0x8f: {  	_ = 	snop  }
0x90: {  	s2 =	sld [smem:$0x3FD0];
	(tm) =	ssettm $0x1  }
0x91: {  	s18 =	sld [smem:$0x3FFB];
	_ =	sdelay $0x3  }
0x92: {  	_ =	strace s18  }
0x93: {  	s3 =	sld [smem:$0x3FFC];
	_ =	sdelay $0x3  }
0x94: {  	_ =	strace s3  }
0x95: {  	s3 =	sld [smem:$0x3FFD];
	_ =	sdelay $0x3  }
0x96: {  	_ =	strace s3  }
0x97: {  	_ =	strace $0x8FFFFFFF  }
0x98: {  	s19 =	sld [smem:$0x3FDB];
	_ =	sdelay $0x1  }
0x99: {  	s4 =	simm.s32 $_scs_section_size  }
0x9a: {  	s5 =	simm.s32 $_size__tile_overlayer_lowered;
	s6 =	simm.s32 $_tile_overlayer_lowered  }
0x9b: {  	s22 =	simm.s32 $0x1BFF;
	s21 =	sshll.u32 s6, $0x1;
	s3 =	sadd.s32 s4, s19  }
0x9c: {  	s7 =	simm.s32 $0x0;
	s20 =	sshll.u32 s5, $0x1;
	s5 =	sadd.s32 s21, s3  }
0x9d: {  	[timem:s7], [sflag:s22] =	dma.local [hbm:s5], s20  }
0x9e: {  	_ =	swait.ge [sflag:s22], s20  }
0x9f: {  	s4 =	ssub.s32 $0x0, s20;
	[sflag:s22] =	ssyncset.done $0x0  }
0xa0: {  	[sflag:s22] =	ssyncadd.s32 s4;
	_ =	sdelay $0x1  }
0xa1: {  	s23 =	simm.s32 $0x1B8B  }
0xa2: {  	_ =	swait.ge [sflag:s23], $0x1  }
0xa3: {  	[sflag:s23] =	ssyncset.done $0x0  }
0xa4: {  	s25 =	simm.s32 $0x1B8E;
	s24 =	sld [smem:$0x3FFE];
	[sflag:s23] =	ssyncadd.s32 $0xFFFFFFFF  }
0xa5: {  	s26 =	simm.s32 $execute0_lowered;
	[smem:$0x3FD2] =	sst s25  }
0xa6: {  	s5 =	sshll.u32 s26, $0x1;
	_ =	strace $0x80000049;
	[dreg:$0x1] =	wrdreg $0xFFFFFFFF  }
0xa7: {  	s28 =	simm.s32 $_size_execute0_lowered;
	s3 =	sadd.s32 s3, s5;
	[dreg:$0x0] =	wrdreg $0x0  }
0xa8: {  	s5 =	sshll.u32 s28, $0x1;
	[dreg:$0x2] =	wrdreg s3  }
0xa9: {  	[dreg:$0x3] =	wrdreg s5  }
0xaa: {  	[dreg:$0x4] =	wrdreg $0xC0  }
0xab: {  	_ =	task [dreg:s7], $0x5FFFF  }
0xac: {  	[dreg:$0x1] =	wrdreg $0xFFFFFFFF  }
0xad: {  	[dreg:$0x0] =	wrdreg $0x60  }
0xae: {  	[dreg:$0x2] =	wrdreg s24  }
0xaf: {  	[dreg:$0x3] =	wrdreg s2  }
0xb0: {  	[dreg:$0x4] =	wrdreg $0xA8000  }
0xb1: {  	[dreg:$0x5] =	wrdreg $0x9  }
0xb2: {  	_ =	task.clear_ibuf [dreg:s7], $0x6FFFF;
	_ =	strace $0x90000049  }
0xb3: {  	s29 =	simm.s32 $0x9;
	_ =	strace $0x8000004B  }
0xb4: {  	_ =	swait.ge [sflag:s29], $0x1  }
0xb5: {  	[sflag:s29] =	ssyncadd.s32 $0xFFFFFFFF  }
0xb6: {  	_ =	strace $0x9000004B  }
0xb7: {  	_ =	sfence  }
0xb8: {  	s30 =	sld [smem:$0x0];
	_ =	sdelay $0x2  }
0xb9: {  	s31 =	sshll.u32 s1, $0xD;
	s1 =	sshrl.u32 s1, $0x2  }
0xba: {  	s3 =	sand.u32 $0x4000, s31;
	s1 =	sadd.s32 s1, s30  }
0xbb: {  	s0 =	sor.u32 s3, s0;
	s1 =	sshll.u32 s1, $0x11  }
0xbc: {  	s0 =	sor.u32 s1, s0  }
0xbd: {  	s0 =	sadd.s32 $0x8F2B, s0  }
0xbe: {  	[sflag:s0] =	ssyncadd.remote.s32 $0x1  }
0xbf: {  	_ =	sfence.sel $0xFFFF  }
0xc0: {  	[dreg:$0x0] =	wrdreg $0xFFFFFFFF;
	(pc) =	sbr.abs _section_cstart, $3  }
0xc1: {  	[dreg:$0x1] =	wrdreg $0xFFFFFFFF  }
0xc2: {  	_ =	task.clear_ibuf [dreg:s7], $0x2FFFF;
	_ =	strace $0x9FFFFFFF  }
0xc3: {  	(tm) =	ssettm $0x7FFFFFFF  }
tec
execute0_lowered:
.L_overlay_start_1:
0x0: {  	(tag) =	ssettag $0x1  }
0x1: {  	s5 =	rddreg [dreg:$0x0]  }
0x2: {  	s1 =	rddreg [dreg:$0x1]  }
0x3: {  	s2 =	rddreg [dreg:$0x2];
	s3 =	srdreg.scid  }
0x4: {  	s0 =	rddreg [dreg:$0x3];
	s10 =	stileid.u32  }
0x5: {  	s14 =	simm.s32 $0x4000;
	s15 =	simm.s32 $0x50;
	s16 =	simm.s32 $0x8000  }
0x6: {  	s17 =	simm.s32 $0x1;
	s18 =	simm.s32 $0x0;
	s6 =	sand.u32 $0x1, s3  }
0x7: {  	s3 =	simm.s32 $0x0;
	s7 =	sshll.u32 s10, $0xB;
	s8 =	smul.u32 $0x13800, s10  }
0x8: {  	s12 =	sadd.s32 $0x23C00, s5;
	p0 =	sne.s32 s10, $0x0;
	s4 =	sshll.u32 s6, $0xF  }
0x9: {  	[smem:$0x7FF] =	sst s3;
	s9 =	ssub.s32 $0x2, s6;
	s11 =	smul.u32 $0x138800, s6  }
0xa: {  	s31 =	smul.u32 $0x27100, s6;
	s10 =	sshll.u32 @p0 s10, $0x6;
	s4 =	sor.u32 s7, s4  }
0xb: {  	_ =	strace $0x8000004A;
	s30 =	sshrl.u32 s9, $0x1;
	s8 =	sadd.s32 $0x800, s8  }
0xc: {  	s10 =	sor.u32 @p0 $0x1C02, s10;
	s7 =	sadd.s32 s4, s5;
	s4 =	sadd.s32 $0x21400, s5  }
0xd: {  	s9 =	ssub.s32 s9, s30;
	s13 =	sadd.s32 s8, s2;
	s8 =	sadd.s32 s11, s8  }
0xe: {  	s5 =	sadd.s32 $0x11400, s7;
	s8 =	sshrl.u32 s8, $0x3;
	s6 =	sadd.s32 $0x1400, s7  }
0xf: {  	s9 =	smax.u32 s9, $0x1;
	s11 =	sshrl.u32 @p0 s13, $0x3;
	s13 =	simm.s32 $0x2  }
0x10: {  	s7 =	sadd.s32 s12, s8;
	s8 =	sadd.s32 s12, s31;
	s12 =	sshrl.u32 @!p0 s2, $0x3  }
.LBB2_1:
0x11: {  	[spmem:s11], [sflag:s10] =	dma.local @p0 [hbm:s4], $0x2700  }
0x12: {  	s19 =	simm.s32 @p0 $0x2  }
0x13: {  	_ =	swait.ge @p0 [sflag:s19], $0x2700  }
0x14: {  	[sflag:s19] =	ssyncset.done @p0 $0x0  }
0x15: {  	[sflag:s19] =	ssyncadd.s32 @p0 $0xFFFFD900;
	s19 =	simm.s32 @!p0 $0x1C02  }
0x16: {  	[spmem:s12], [sflag:s19] =	dma.local @!p0 [hbm:s4], $0x2800  }
0x17: {  	s19 =	simm.s32 @!p0 $0x2  }
0x18: {  	_ =	swait.ge @!p0 [sflag:s19], $0x2800  }
0x19: {  	[sflag:s19] =	ssyncset.done @!p0 $0x0  }
0x1a: {  	[sflag:s19] =	ssyncadd.s32 @!p0 $0xFFFFD800  }
0x1b: {  	[bflag:$0x0] =	sbarrier.arrive $0xFFFF  }
0x1c: {  	[tilespmem:s3], [sflag:$0x2] =	stream.linear.gather [hbm4b:s5+s3], $0x3E80, $0x38;
	[tilespmem:$0x1E080] =	vst v63  }
0x1d: {  	_ =	swait.ge [sflag:s13], $0x3E80  }
0x1e: {  	[sflag:s13] =	ssyncset.done $0x0  }
0x1f: {  	[sflag:s13] =	ssyncadd.s32 $0xFFFFC180  }
0x20: {  	[tilespmem:s14], [sflag:$0x2] =	stream.linear.gather [hbm4b:s6+s3], $0x3E80, $0x38;
	[tilespmem:$0x1E080] =	vst v63  }
0x21: {  	_ =	swait.ge [sflag:s13], $0x3E80  }
0x22: {  	[sflag:s13] =	ssyncset.done $0x0  }
0x23: {  	s30 =	simm.s32 $0x0;
	[sflag:s13] =	ssyncadd.s32 $0xFFFFC180  }
0x24: {  	[tilespmem:s16], [sflag:$0x1] =	stream.indirect.gather [hbm4b:s1+s15], $0x80, s30, s15, $0xb8;
	[tilespmem:$0x1E080] =	vst v63  }
0x25: {  	_ =	swait.ge [sflag:s17], $0x2800  }
0x26: {  	[sflag:s17] =	ssyncset.done $0x0  }
0x27: {  	s31 =	simm.s32 $0x4000;
	[sflag:s17] =	ssyncadd.s32 $0xFFFFD800  }
0x28: {  	[spmem:s2] =	stream.indirect.scatter.add.f32 [tilespmem:s16], [sflag:$0x2], $0x80, s31, s15, $0xb8;
	[tilespmem:$0x1E080] =	vst v63  }
0x29: {  	_ =	swait.ge [sflag:s13], $0x2800  }
0x2a: {  	s20 =	simm.s32 $0x400;
	s19 =	simm.s32 $0x200;
	[sflag:s13] =	ssyncset.done $0x0  }
.LBB2_2:
0x2b: {  	s21 =	sshra.s32 s19, $0x2  }
0x2c: {  	[sflag:s13] =	ssyncadd.s32 $0xFFFFD800;
	s19 =	smov.u32 s20;
	s22 =	sadd.s32 $0x200, s20  }
0x2d: {  	[tilespmem:s16], [sflag:$0x1] =	stream.indirect.gather [hbm4b:s1+s15], $0x80, s21, s15, $0xb8;
	[tilespmem:$0x1E080] =	vst v63  }
0x2e: {  	p1 =	sne.s32 s20, $0xF800;
	_ =	swait.ge [sflag:s17], $0x2800  }
.Ltmp0:
0x2f: {  	[sflag:s17] =	ssyncset.done $0x0;
	(pc) =	sbr.rel @p1 .LBB2_2-.Ltmp0, $4  }
0x30: {  	s20 =	sadd.s32 $0x4000, s21;
	[sflag:s17] =	ssyncadd.s32 $0xFFFFD800  }
0x31: {  	[spmem:s2] =	stream.indirect.scatter.add.f32 [tilespmem:s16], [sflag:$0x2], $0x80, s20, s15, $0xb8;
	[tilespmem:$0x1E080] =	vst v63  }
0x32: {  	_ =	swait.ge [sflag:s13], $0x2800  }
0x33: {  	s20 =	smov.u32 s22;
	[sflag:s13] =	ssyncset.done $0x0  }
0x34: {  	s19 =	sshra.s32 s19, $0x2;
	[sflag:s13] =	ssyncadd.s32 $0xFFFFD800  }
0x35: {  	[tilespmem:s16], [sflag:$0x1] =	stream.indirect.gather [hbm4b:s1+s15], $0x80, s19, s15, $0xb8;
	[tilespmem:$0x1E080] =	vst v63  }
0x36: {  	_ =	swait.ge [sflag:s17], $0x2800  }
0x37: {  	[sflag:s17] =	ssyncset.done $0x0  }
0x38: {  	s19 =	sadd.s32 $0x4000, s19;
	[sflag:s17] =	ssyncadd.s32 $0xFFFFD800  }
0x39: {  	[spmem:s2] =	stream.indirect.scatter.add.f32 [tilespmem:s16], [sflag:$0x2], $0x80, s19, s15, $0xb8;
	[tilespmem:$0x1E080] =	vst v63  }
0x3a: {  	_ =	swait.ge [sflag:s13], $0x2800  }
0x3b: {  	[sflag:s13] =	ssyncset.done $0x0  }
0x3c: {  	[sflag:s13] =	ssyncadd.s32 $0xFFFFD800  }
0x3d: {  	s19 =	simm.s32 @p0 $0x2;
	[bflag:$0x0] =	sbarrier.arrive $0xFFFF  }
0x3e: {  	[hbm:s7], [sflag:s10] =	dma.local @p0 [spmem:s11], $0x2700  }
0x3f: {  	_ =	swait.ge @p0 [sflag:s19], $0x2700  }
0x40: {  	s18 =	sadd.s32 $0x1, s18;
	[sflag:s19] =	ssyncset.done @p0 $0x0  }
0x41: {  	p1 =	sne.s32 s18, s9;
	[sflag:s19] =	ssyncadd.s32 @p0 $0xFFFFD900;
	s19 =	simm.s32 @!p0 $0x1C02  }
0x42: {  	[hbm:s8], [sflag:s19] =	dma.local @!p0 [spmem:s12], $0x2800  }
.Ltmp1:
0x43: {  	_ = 	snop;
	(pc) =	sbr.rel @p1 .LBB2_1-.Ltmp1, $4  }
0x44: {  	s19 =	simm.s32 @!p0 $0x2  }
0x45: {  	_ =	swait.ge @!p0 [sflag:s19], $0x2800  }
0x46: {  	[sflag:s19] =	ssyncset.done @!p0 $0x0  }
0x47: {  	[sflag:s19] =	ssyncadd.s32 @!p0 $0xFFFFD800  }
0x48: {  	_ =	sfence.sel $0x180000  }
0x49: {  	[bflag:$0x0] =	sbarrier.arrive $0xFFFF  }
0x4a: {  	_ =	strace $0x9000004A  }
0x4b: {  	s0 =	sadd.s32 @!p0 $0x100000, s0;
	[bflag:$0x2] =	sbarrier.arrive $0xFFFF  }
0x4c: {  	[sflag:s0] =	ssyncadd.tile.s32 @!p0 $0x1;
	_ =	shalt  }
.Lfunc_end2:
_tile_overlayer_lowered:
.L_overlay_start_2:
0x4d: {  	(tag) =	ssettag $0x2  }
0x4e: {  	s0 =	rddreg [dreg:$0x0];
	s2 =	stileid.u32  }
0x4f: {  	s1 =	rddreg [dreg:$0x1];
	p0 =	sne.s32 s2, $0x0  }
0x50: {  	s3 =	rddreg [dreg:$0x2];
	[bflag:$0x3] =	sbarrier.arrive $0xFFFF;
	s2 =	simm.s32 @!p0 $0x1C02  }
0x51: {  	[timem:s3], [sflag:s2] =	dma.local @!p0 [hbm:s0], s1  }
0x52: {  	s0 =	simm.s32 @!p0 $0x2  }
0x53: {  	_ =	swait.ge @!p0 [sflag:s0], s1  }
0x54: {  	s1 =	ssub.s32 @!p0 $0x0, s1;
	[sflag:s0] =	ssyncset.done @!p0 $0x0  }
0x55: {  	[sflag:s0] =	ssyncadd.s32 @!p0 s1  }
0x56: {  	[bflag:$0x3] =	sbarrier.arrive $0xFFFF  }
0x57: {  	_ =	shalt  }

// kernel: kernel.7.cloned.1.call-start
scs
__scs_entry_jumppad:
0x0: {  	(pc) =	sbr.rel $0x88, $3  }
0x1: {  	(tag) =	ssettag $0x0;
	lr =	simm.s32 $0x1  }
0x2: {  	[smem:$0x3F99] =	sst lr;
	_ =	strace $0xD0000000  }
0x3: {  	_ = 	snop  }
0x4: {  	_ = 	snop  }
0x5: {  	_ = 	snop  }
0x6: {  	_ = 	snop  }
0x7: {  	_ = 	snop  }
__scs_overlays_trampoline_lowered:
0x8: {  	[smem:$0x3FA8] =	sst s0  }
0x9: {  	[smem:$0x3FA9] =	sst s1  }
0xa: {  	[smem:$0x3FAA] =	sst s2  }
0xb: {  	[smem:$0x3FAB] =	sst s3  }
0xc: {  	[smem:$0x3FAC] =	sst s4  }
0xd: {  	[smem:$0x3FAD] =	sst s5  }
0xe: {  	[smem:$0x3FAE] =	sst s6  }
0xf: {  	[smem:$0x3FAF] =	sst s7  }
0x10: {  	[smem:$0x3FB0] =	sst s8  }
0x11: {  	[smem:$0x3FB1] =	sst s9;
	s0 =	simm.s32 @!p0 $0x0  }
0x12: {  	s1 =	sld [smem:$0x3F97];
	s0 =	simm.s32 @p0 $0x1  }
0x13: {  	[smem:$0x3FB2] =	sst s0;
	s0 =	simm.s32 @!p1 $0x0  }
0x14: {  	s2 =	sld [smem:$0x3F96];
	s0 =	simm.s32 @p1 $0x1  }
0x15: {  	[smem:$0x3FB3] =	sst s0;
	s0 =	simm.s32 @!p2 $0x0  }
0x16: {  	s3 =	sld [smem:$0x3FDB];
	s0 =	simm.s32 @p2 $0x1  }
0x17: {  	s4 =	simm.s32 $0x1BF5;
	[smem:$0x3FB5] =	sst s0  }
0x18: {  	s0 =	sld [smem:$0x3F98];
	_ =	swait.ge [sflag:s4], $0x0  }
0x19: {  	s7 =	sld [smem:$0x3F99]  }
0x1a: {  	s8 =	sadd.s32 $0xFFFFE003, lr  }
0x1b: {  	s9 =	sadd.s32 $0xFFFFFEF7, lr;
	s5 =	simm.s32 $0xFFFFFFFF;
	p2 =	slt.u32 s8, $0xFFFFF086  }
0x1c: {  	p1 =	slt.u32 s9, $0xF7A;
	s5 =	simm.s32 @!p2 $0x0  }
0x1d: {  	s5 =	simm.s32 @p1 $0x1;
	p0 =	seq.s32 s7, s2  }
0x1e: {  	s7 =	smul.u32 @!p0 $0xF7A, s2;
	p2 =	seq.s32 @!p0 s5, $0x0  }
0x1f: {  	s9 =	smul.u32 $0xF7A, s1;
	s8 =	simm.s32 @!p0 $0x1BF5;
	p2 =	por !p2, p0  }
0x20: {  	[sflag:s8] =	ssyncset.s32 @!p0 $0xFFFFF086;
	s6 =	sadd.s32 @!p0 s3, s7;
	s7 =	simm.s32 @!p0 $0x108  }
0x21: {  	s3 =	sadd.s32 s3, s9;
	s6 =	sadd.s32 @!p0 $0x88, s6;
	s7 =	simm.s32 @p2 $0x1082  }
0x22: {  	[simem:s7], [sflag:s8] =	dma.local @!p0 [hbm:s6], $0xF7A  }
0x23: {  	s9 =	sor.u32 $0xD0000000, s2;
	s6 =	simm.s32 $0x108;
	_ =	swait.ge @!p0 [sflag:s8], $0x0  }
0x24: {  	s3 =	sadd.s32 $0x88, s3;
	s6 =	simm.s32 @!p1 $0x1082;
	[sflag:s4] =	ssyncset.s32 $0xFFFFF086  }
0x25: {  	[simem:s6], [sflag:s4] =	dma.local [hbm:s3], $0xF7A  }
0x26: {  	[smem:$0x3F99] =	sst s1;
	(tag) =	ssettag s2;
	_ =	strace s9  }
0x27: {  	s1 =	sld [smem:$0x3FA9]  }
0x28: {  	s2 =	sld [smem:$0x3FAA]  }
0x29: {  	s4 =	sld [smem:$0x3FAC]  }
0x2a: {  	p0 =	seq.s32 s5, $0x0;
	s5 =	sld [smem:$0x3FAD]  }
0x2b: {  	s6 =	sld [smem:$0x3FAE]  }
0x2c: {  	s7 =	sld [smem:$0x3FAF]  }
0x2d: {  	s3 =	simm.s32 $0x108;
	s8 =	sld [smem:$0x3FB0]  }
0x2e: {  	s3 =	simm.s32 @!p0 $0x1082;
	s9 =	sld [smem:$0x3FB1]  }
0x2f: {  	lr =	sadd.s32 s0, s3;
	s0 =	sld [smem:$0x3FA8]  }
0x30: {  	s3 =	sld [smem:$0x3FAB]  }
0x31: {  	[smem:$0x3FB4] =	sst s10  }
0x32: {  	s10 =	sld [smem:$0x3FB2];
	_ =	sdelay $0x3  }
0x33: {  	p0 =	seq.s32 s10, $0x1;
	s10 =	sld [smem:$0x3FB4];
	_ =	sdelay $0x3  }
0x34: {  	[smem:$0x3FB4] =	sst s10  }
0x35: {  	s10 =	sld [smem:$0x3FB3];
	_ =	sdelay $0x3  }
0x36: {  	p1 =	seq.s32 s10, $0x1;
	s10 =	sld [smem:$0x3FB4];
	_ =	sdelay $0x3  }
0x37: {  	[smem:$0x3FB4] =	sst s10  }
0x38: {  	s10 =	sld [smem:$0x3FB5]  }
0x39: {  	_ = 	snop;
	(pc) =	sbr.ind lr, $3  }
0x3a: {  	_ = 	snop  }
0x3b: {  	_ = 	snop  }
0x3c: {  	p2 =	seq.s32 s10, $0x1;
	s10 =	sld [smem:$0x3FB4]  }
0x3d: {  	_ =	shalt  }
0x3e: {  	_ =	shalt  }
0x3f: {  	_ =	shalt  }
0x40: {  	_ =	shalt  }
0x41: {  	_ =	shalt  }
0x42: {  	_ =	shalt  }
0x43: {  	_ =	shalt  }
0x44: {  	_ =	shalt  }
0x45: {  	_ =	shalt  }
0x46: {  	_ =	shalt  }
0x47: {  	_ =	shalt  }
0x48: {  	_ =	shalt  }
0x49: {  	_ =	shalt  }
0x4a: {  	_ =	shalt  }
0x4b: {  	_ =	shalt  }
0x4c: {  	_ =	shalt  }
0x4d: {  	_ =	shalt  }
0x4e: {  	_ =	shalt  }
0x4f: {  	_ =	shalt  }
0x50: {  	_ =	shalt  }
0x51: {  	_ =	shalt  }
0x52: {  	_ =	shalt  }
0x53: {  	_ =	shalt  }
0x54: {  	_ =	shalt  }
0x55: {  	_ =	shalt  }
0x56: {  	_ =	shalt  }
0x57: {  	_ =	shalt  }
0x58: {  	_ =	shalt  }
0x59: {  	_ =	shalt  }
0x5a: {  	_ =	shalt  }
0x5b: {  	_ =	shalt  }
0x5c: {  	_ =	shalt  }
0x5d: {  	_ =	shalt  }
0x5e: {  	_ =	shalt  }
0x5f: {  	_ =	shalt  }
0x60: {  	_ =	shalt  }
0x61: {  	_ =	shalt  }
0x62: {  	_ =	shalt  }
0x63: {  	_ =	shalt  }
0x64: {  	_ =	shalt  }
0x65: {  	_ =	shalt  }
0x66: {  	_ =	shalt  }
0x67: {  	_ =	shalt  }
0x68: {  	_ =	shalt  }
0x69: {  	_ =	shalt  }
0x6a: {  	_ =	shalt  }
0x6b: {  	_ =	shalt  }
0x6c: {  	_ =	shalt  }
0x6d: {  	_ =	shalt  }
0x6e: {  	_ =	shalt  }
0x6f: {  	_ =	shalt  }
0x70: {  	_ =	shalt  }
0x71: {  	_ =	shalt  }
0x72: {  	_ =	shalt  }
0x73: {  	_ =	shalt  }
0x74: {  	_ =	shalt  }
0x75: {  	_ =	shalt  }
0x76: {  	_ =	shalt  }
0x77: {  	_ =	shalt  }
0x78: {  	_ =	shalt  }
0x79: {  	_ =	shalt  }
0x7a: {  	_ =	shalt  }
0x7b: {  	_ =	shalt  }
0x7c: {  	_ =	shalt  }
0x7d: {  	_ =	shalt  }
0x7e: {  	_ =	shalt  }
0x7f: {  	_ =	shalt  }
0x80: {  	_ =	shalt  }
0x81: {  	_ =	shalt  }
0x82: {  	_ =	shalt  }
0x83: {  	_ =	shalt  }
0x84: {  	_ =	shalt  }
0x85: {  	_ =	shalt  }
0x86: {  	_ =	shalt  }
0x87: {  	_ =	shalt  }
.Lfunc_end0:
.L_simem_size_0:
called_computation_lowered:
.L_overlay_start_0:
0x88: {  	s2 =	sld [smem:$0x3FD9]  }
0x89: {  	s3 =	sld [smem:$0x3FFE];
	_ =	sdelay $0x1  }
0x8a: {  	s1 =	srdreg.scid  }
0x8b: {  	s0 =	sand.u32 $0x1, s1  }
0x8c: {  	s17 =	sshll.u32 s0, $0xA;
	s2 =	sadd.s32 s3, s2  }
0x8d: {  	s2 =	sadd.s32 s2, s17  }
0x8e: {  	[smem:$0x3FC0] =	sst s2  }
0x8f: {  	_ = 	snop  }
0x90: {  	s2 =	sld [smem:$0x3FD0];
	(tm) =	ssettm $0x1  }
0x91: {  	s18 =	sld [smem:$0x3FFB];
	_ =	sdelay $0x3  }
0x92: {  	_ =	strace s18  }
0x93: {  	s3 =	sld [smem:$0x3FFC];
	_ =	sdelay $0x3  }
0x94: {  	_ =	strace s3  }
0x95: {  	s3 =	sld [smem:$0x3FFD];
	_ =	sdelay $0x3  }
0x96: {  	_ =	strace s3  }
0x97: {  	_ =	strace $0x8FFFFFFF  }
0x98: {  	s19 =	sld [smem:$0x3FDB];
	_ =	sdelay $0x1  }
0x99: {  	s4 =	simm.s32 $_scs_section_size  }
0x9a: {  	s5 =	simm.s32 $_size__tile_overlayer_lowered;
	s6 =	simm.s32 $_tile_overlayer_lowered  }
0x9b: {  	s22 =	simm.s32 $0x1BFF;
	s21 =	sshll.u32 s6, $0x1;
	s3 =	sadd.s32 s4, s19  }
0x9c: {  	s7 =	simm.s32 $0x0;
	s20 =	sshll.u32 s5, $0x1;
	s5 =	sadd.s32 s21, s3  }
0x9d: {  	[timem:s7], [sflag:s22] =	dma.local [hbm:s5], s20  }
0x9e: {  	_ =	swait.ge [sflag:s22], s20  }
0x9f: {  	s4 =	ssub.s32 $0x0, s20;
	[sflag:s22] =	ssyncset.done $0x0  }
0xa0: {  	[sflag:s22] =	ssyncadd.s32 s4;
	_ =	sdelay $0x1  }
0xa1: {  	s23 =	simm.s32 $0x1B8B  }
0xa2: {  	_ =	swait.ge [sflag:s23], $0x1  }
0xa3: {  	[sflag:s23] =	ssyncset.done $0x0  }
0xa4: {  	s25 =	simm.s32 $0x1B8E;
	s24 =	sld [smem:$0x3FFE];
	[sflag:s23] =	ssyncadd.s32 $0xFFFFFFFF  }
0xa5: {  	s26 =	simm.s32 $execute0_lowered;
	[smem:$0x3FD2] =	sst s25  }
0xa6: {  	s5 =	sshll.u32 s26, $0x1;
	_ =	strace $0x80000046;
	[dreg:$0x1] =	wrdreg $0xFFFFFFFF  }
0xa7: {  	s28 =	simm.s32 $_size_execute0_lowered;
	s3 =	sadd.s32 s3, s5;
	[dreg:$0x0] =	wrdreg $0x0  }
0xa8: {  	s5 =	sshll.u32 s28, $0x1;
	[dreg:$0x2] =	wrdreg s3  }
0xa9: {  	[dreg:$0x3] =	wrdreg s5  }
0xaa: {  	[dreg:$0x4] =	wrdreg $0xC0  }
0xab: {  	_ =	task [dreg:s7], $0x5FFFF  }
0xac: {  	[dreg:$0x1] =	wrdreg $0xFFFFFFFF  }
0xad: {  	[dreg:$0x0] =	wrdreg $0x60  }
0xae: {  	[dreg:$0x2] =	wrdreg s24  }
0xaf: {  	[dreg:$0x3] =	wrdreg s2  }
0xb0: {  	[dreg:$0x4] =	wrdreg $0xA8000  }
0xb1: {  	[dreg:$0x5] =	wrdreg $0x9  }
0xb2: {  	_ =	task.clear_ibuf [dreg:s7], $0x6FFFF;
	_ =	strace $0x90000046  }
0xb3: {  	s29 =	simm.s32 $0x9;
	_ =	strace $0x80000048  }
0xb4: {  	_ =	swait.ge [sflag:s29], $0x1  }
0xb5: {  	[sflag:s29] =	ssyncadd.s32 $0xFFFFFFFF  }
0xb6: {  	_ =	strace $0x90000048  }
0xb7: {  	_ =	sfence  }
0xb8: {  	s30 =	sld [smem:$0x0];
	_ =	sdelay $0x2  }
0xb9: {  	s31 =	sshll.u32 s1, $0xD;
	s1 =	sshrl.u32 s1, $0x2  }
0xba: {  	s3 =	sand.u32 $0x4000, s31;
	s1 =	sadd.s32 s1, s30  }
0xbb: {  	s0 =	sor.u32 s3, s0;
	s1 =	sshll.u32 s1, $0x11  }
0xbc: {  	s0 =	sor.u32 s1, s0  }
0xbd: {  	s0 =	sadd.s32 $0x8F2B, s0  }
0xbe: {  	[sflag:s0] =	ssyncadd.remote.s32 $0x1  }
0xbf: {  	_ =	sfence.sel $0xFFFF  }
0xc0: {  	[dreg:$0x0] =	wrdreg $0xFFFFFFFF;
	(pc) =	sbr.abs _section_cstart, $3  }
0xc1: {  	[dreg:$0x1] =	wrdreg $0xFFFFFFFF  }
0xc2: {  	_ =	task.clear_ibuf [dreg:s7], $0x2FFFF;
	_ =	strace $0x9FFFFFFF  }
0xc3: {  	(tm) =	ssettm $0x7FFFFFFF  }
tec
execute0_lowered:
.L_overlay_start_1:
0x0: {  	(tag) =	ssettag $0x1  }
0x1: {  	s5 =	rddreg [dreg:$0x0]  }
0x2: {  	s1 =	rddreg [dreg:$0x1]  }
0x3: {  	s2 =	rddreg [dreg:$0x2];
	s3 =	srdreg.scid  }
0x4: {  	s0 =	rddreg [dreg:$0x3];
	s10 =	stileid.u32  }
0x5: {  	s14 =	simm.s32 $0x4000;
	s15 =	simm.s32 $0x50;
	s16 =	simm.s32 $0x8000  }
0x6: {  	s17 =	simm.s32 $0x1;
	s18 =	simm.s32 $0x0;
	s6 =	sand.u32 $0x1, s3  }
0x7: {  	s3 =	simm.s32 $0x0;
	s7 =	sshll.u32 s10, $0xB;
	s8 =	smul.u32 $0x13800, s10  }
0x8: {  	s12 =	sadd.s32 $0x23C00, s5;
	p0 =	sne.s32 s10, $0x0;
	s4 =	sshll.u32 s6, $0xF  }
0x9: {  	[smem:$0x7FF] =	sst s3;
	s9 =	ssub.s32 $0x2, s6;
	s11 =	smul.u32 $0x138800, s6  }
0xa: {  	s31 =	smul.u32 $0x27100, s6;
	s10 =	sshll.u32 @p0 s10, $0x6;
	s4 =	sor.u32 s7, s4  }
0xb: {  	_ =	strace $0x80000047;
	s30 =	sshrl.u32 s9, $0x1;
	s8 =	sadd.s32 $0x800, s8  }
0xc: {  	s10 =	sor.u32 @p0 $0x1C02, s10;
	s7 =	sadd.s32 s4, s5;
	s4 =	sadd.s32 $0x21400, s5  }
0xd: {  	s9 =	ssub.s32 s9, s30;
	s13 =	sadd.s32 s8, s2;
	s8 =	sadd.s32 s11, s8  }
0xe: {  	s5 =	sadd.s32 $0x11400, s7;
	s8 =	sshrl.u32 s8, $0x3;
	s6 =	sadd.s32 $0x1400, s7  }
0xf: {  	s9 =	smax.u32 s9, $0x1;
	s11 =	sshrl.u32 @p0 s13, $0x3;
	s13 =	simm.s32 $0x2  }
0x10: {  	s7 =	sadd.s32 s12, s8;
	s8 =	sadd.s32 s12, s31;
	s12 =	sshrl.u32 @!p0 s2, $0x3  }
.LBB2_1:
0x11: {  	[spmem:s11], [sflag:s10] =	dma.local @p0 [hbm:s4], $0x2700  }
0x12: {  	s19 =	simm.s32 @p0 $0x2  }
0x13: {  	_ =	swait.ge @p0 [sflag:s19], $0x2700  }
0x14: {  	[sflag:s19] =	ssyncset.done @p0 $0x0  }
0x15: {  	[sflag:s19] =	ssyncadd.s32 @p0 $0xFFFFD900;
	s19 =	simm.s32 @!p0 $0x1C02  }
0x16: {  	[spmem:s12], [sflag:s19] =	dma.local @!p0 [hbm:s4], $0x2800  }
0x17: {  	s19 =	simm.s32 @!p0 $0x2  }
0x18: {  	_ =	swait.ge @!p0 [sflag:s19], $0x2800  }
0x19: {  	[sflag:s19] =	ssyncset.done @!p0 $0x0  }
0x1a: {  	[sflag:s19] =	ssyncadd.s32 @!p0 $0xFFFFD800  }
0x1b: {  	[bflag:$0x0] =	sbarrier.arrive $0xFFFF  }
0x1c: {  	[tilespmem:s3], [sflag:$0x2] =	stream.linear.gather [hbm4b:s5+s3], $0x3E80, $0x38;
	[tilespmem:$0x1E080] =	vst v63  }
0x1d: {  	_ =	swait.ge [sflag:s13], $0x3E80  }
0x1e: {  	[sflag:s13] =	ssyncset.done $0x0  }
0x1f: {  	[sflag:s13] =	ssyncadd.s32 $0xFFFFC180  }
0x20: {  	[tilespmem:s14], [sflag:$0x2] =	stream.linear.gather [hbm4b:s6+s3], $0x3E80, $0x38;
	[tilespmem:$0x1E080] =	vst v63  }
0x21: {  	_ =	swait.ge [sflag:s13], $0x3E80  }
0x22: {  	[sflag:s13] =	ssyncset.done $0x0  }
0x23: {  	s30 =	simm.s32 $0x0;
	[sflag:s13] =	ssyncadd.s32 $0xFFFFC180  }
0x24: {  	[tilespmem:s16], [sflag:$0x1] =	stream.indirect.gather [hbm4b:s1+s15], $0x80, s30, s15, $0xb8;
	[tilespmem:$0x1E080] =	vst v63  }
0x25: {  	_ =	swait.ge [sflag:s17], $0x2800  }
0x26: {  	[sflag:s17] =	ssyncset.done $0x0  }
0x27: {  	s31 =	simm.s32 $0x4000;
	[sflag:s17] =	ssyncadd.s32 $0xFFFFD800  }
0x28: {  	[spmem:s2] =	stream.indirect.scatter.add.f32 [tilespmem:s16], [sflag:$0x2], $0x80, s31, s15, $0xb8;
	[tilespmem:$0x1E080] =	vst v63  }
0x29: {  	_ =	swait.ge [sflag:s13], $0x2800  }
0x2a: {  	s20 =	simm.s32 $0x400;
	s19 =	simm.s32 $0x200;
	[sflag:s13] =	ssyncset.done $0x0  }
.LBB2_2:
0x2b: {  	s21 =	sshra.s32 s19, $0x2  }
0x2c: {  	[sflag:s13] =	ssyncadd.s32 $0xFFFFD800;
	s19 =	smov.u32 s20;
	s22 =	sadd.s32 $0x200, s20  }
0x2d: {  	[tilespmem:s16], [sflag:$0x1] =	stream.indirect.gather [hbm4b:s1+s15], $0x80, s21, s15, $0xb8;
	[tilespmem:$0x1E080] =	vst v63  }
0x2e: {  	p1 =	sne.s32 s20, $0xF800;
	_ =	swait.ge [sflag:s17], $0x2800  }
.Ltmp0:
0x2f: {  	[sflag:s17] =	ssyncset.done $0x0;
	(pc) =	sbr.rel @p1 .LBB2_2-.Ltmp0, $4  }
0x30: {  	s20 =	sadd.s32 $0x4000, s21;
	[sflag:s17] =	ssyncadd.s32 $0xFFFFD800  }
0x31: {  	[spmem:s2] =	stream.indirect.scatter.add.f32 [tilespmem:s16], [sflag:$0x2], $0x80, s20, s15, $0xb8;
	[tilespmem:$0x1E080] =	vst v63  }
0x32: {  	_ =	swait.ge [sflag:s13], $0x2800  }
0x33: {  	s20 =	smov.u32 s22;
	[sflag:s13] =	ssyncset.done $0x0  }
0x34: {  	s19 =	sshra.s32 s19, $0x2;
	[sflag:s13] =	ssyncadd.s32 $0xFFFFD800  }
0x35: {  	[tilespmem:s16], [sflag:$0x1] =	stream.indirect.gather [hbm4b:s1+s15], $0x80, s19, s15, $0xb8;
	[tilespmem:$0x1E080] =	vst v63  }
0x36: {  	_ =	swait.ge [sflag:s17], $0x2800  }
0x37: {  	[sflag:s17] =	ssyncset.done $0x0  }
0x38: {  	s19 =	sadd.s32 $0x4000, s19;
	[sflag:s17] =	ssyncadd.s32 $0xFFFFD800  }
0x39: {  	[spmem:s2] =	stream.indirect.scatter.add.f32 [tilespmem:s16], [sflag:$0x2], $0x80, s19, s15, $0xb8;
	[tilespmem:$0x1E080] =	vst v63  }
0x3a: {  	_ =	swait.ge [sflag:s13], $0x2800  }
0x3b: {  	[sflag:s13] =	ssyncset.done $0x0  }
0x3c: {  	[sflag:s13] =	ssyncadd.s32 $0xFFFFD800  }
0x3d: {  	s19 =	simm.s32 @p0 $0x2;
	[bflag:$0x0] =	sbarrier.arrive $0xFFFF  }
0x3e: {  	[hbm:s7], [sflag:s10] =	dma.local @p0 [spmem:s11], $0x2700  }
0x3f: {  	_ =	swait.ge @p0 [sflag:s19], $0x2700  }
0x40: {  	s18 =	sadd.s32 $0x1, s18;
	[sflag:s19] =	ssyncset.done @p0 $0x0  }
0x41: {  	p1 =	sne.s32 s18, s9;
	[sflag:s19] =	ssyncadd.s32 @p0 $0xFFFFD900;
	s19 =	simm.s32 @!p0 $0x1C02  }
0x42: {  	[hbm:s8], [sflag:s19] =	dma.local @!p0 [spmem:s12], $0x2800  }
.Ltmp1:
0x43: {  	_ = 	snop;
	(pc) =	sbr.rel @p1 .LBB2_1-.Ltmp1, $4  }
0x44: {  	s19 =	simm.s32 @!p0 $0x2  }
0x45: {  	_ =	swait.ge @!p0 [sflag:s19], $0x2800  }
0x46: {  	[sflag:s19] =	ssyncset.done @!p0 $0x0  }
0x47: {  	[sflag:s19] =	ssyncadd.s32 @!p0 $0xFFFFD800  }
0x48: {  	_ =	sfence.sel $0x180000  }
0x49: {  	[bflag:$0x0] =	sbarrier.arrive $0xFFFF  }
0x4a: {  	_ =	strace $0x90000047  }
0x4b: {  	s0 =	sadd.s32 @!p0 $0x100000, s0;
	[bflag:$0x2] =	sbarrier.arrive $0xFFFF  }
0x4c: {  	[sflag:s0] =	ssyncadd.tile.s32 @!p0 $0x1;
	_ =	shalt  }
.Lfunc_end2:
_tile_overlayer_lowered:
.L_overlay_start_2:
0x4d: {  	(tag) =	ssettag $0x2  }
0x4e: {  	s0 =	rddreg [dreg:$0x0];
	s2 =	stileid.u32  }
0x4f: {  	s1 =	rddreg [dreg:$0x1];
	p0 =	sne.s32 s2, $0x0  }
0x50: {  	s3 =	rddreg [dreg:$0x2];
	[bflag:$0x3] =	sbarrier.arrive $0xFFFF;
	s2 =	simm.s32 @!p0 $0x1C02  }
0x51: {  	[timem:s3], [sflag:s2] =	dma.local @!p0 [hbm:s0], s1  }
0x52: {  	s0 =	simm.s32 @!p0 $0x2  }
0x53: {  	_ =	swait.ge @!p0 [sflag:s0], s1  }
0x54: {  	s1 =	ssub.s32 @!p0 $0x0, s1;
	[sflag:s0] =	ssyncset.done @!p0 $0x0  }
0x55: {  	[sflag:s0] =	ssyncadd.s32 @!p0 s1  }
0x56: {  	[bflag:$0x3] =	sbarrier.arrive $0xFFFF  }
0x57: {  	_ =	shalt  }

</sc_bundles>
